<compile_context>
chip_gen: v7x
topology: tpu7x:2x2x1
jax: 0.10.2.dev20260603
libtpu: 0.0.44.dev20260713+nightly
codegen_flags: <defaults>
</compile_context>

<pallas_src>
import functools

import jax
import jax.numpy as jnp
from jax import lax
from jax.experimental import pallas as pl
from jax.experimental.pallas import tpu as pltpu
from jax.experimental.pallas import tpu_sc as plsc

B = 4096
T = 200
D = 64
NW = 32
L = 16
TJ = T // 8
BJ = B // 128
NCHUNK = T // 2
OSTRIDE = 257


def _body(rid_hbm, post_hbm, table_hbm, out_hbm,
          idx_v, post_v, rows0, rows1, obuf0, obuf1,
          sg0, sg1, so0, so1):
    w = lax.axis_index("s") * 2 + lax.axis_index("c")
    rows = (rows0, rows1)
    obuf = (obuf0, obuf1)
    sg = (sg0, sg1)
    so = (so0, so1)

    pltpu.sync_copy(post_hbm, post_v)
    pltpu.sync_copy(rid_hbm.at[:, w], idx_v)

    iota = lax.iota(jnp.int32, L)

    def tj_tt(c):
        return lax.shift_right_logical(c, 2), lax.mul(lax.rem(c, 4), 2)

    def issue_gather(c, k):
        tj, tt0 = tj_tt(c)
        for h in (0, 1):
            pltpu.async_copy(table_hbm.at[idx_v.at[tj, tt0 + h]],
                             rows[k].at[h], sg[k])

    def wait_gather(k):
        for h in (0, 1):
            pltpu.make_async_copy(table_hbm.at[idx_v.at[0, 0]],
                                  rows[k].at[h], sg[k]).wait()

    def issue_out(c, k):
        tj, tt0 = tj_tt(c)
        pltpu.async_copy(obuf[k].at[:, pl.ds(0, 256)],
                         out_hbm.at[:, tj, w, pl.ds(tt0 * 128, 256)], so[k])

    def wait_out(k):
        pltpu.make_async_copy(obuf[k].at[:, pl.ds(0, 256)],
                              out_hbm.at[:, 0, 0, pl.ds(0, 256)], so[k]).wait()

    issue_gather(0, 0)
    issue_gather(1, 1)

    def loop_body(j, carry):
        for k in (0, 1):
            c = 2 * j + k
            tj, tt0 = tj_tt(c)
            wait_gather(k)

            @pl.when(c >= 2)
            def _():
                wait_out(k)

            for h in (0, 1):
                t = lax.add(lax.add(lax.mul(tj, 8), tt0), h)
                pvecs = [post_v[t, pl.ds(dc * L, L)] for dc in range(D // L)]
                col0 = h * 128

                @plsc.parallel_loop(0, 128, 1, unroll=8)
                def per_bb(bb):
                    bvec = jnp.zeros((L,), jnp.int32) + (col0 + bb)
                    for dc in range(D // L):
                        v = rows[k][h, bb, pl.ds(dc * L, L)]
                        plsc.store_scatter(obuf[k], [dc * L + iota, bvec],
                                           v + pvecs[dc])

            issue_out(c, k)

            @pl.when(c + 2 < NCHUNK)
            def _():
                issue_gather(c + 2, k)
        return carry

    lax.fori_loop(0, NCHUNK // 2, loop_body, 0, unroll=False)
    wait_out(0)
    wait_out(1)


def kernel(rid, table, pos):
    rid4 = (rid.astype(jnp.int32)
            .reshape(BJ, 128, TJ, 8).transpose(2, 0, 3, 1))
    post = jnp.transpose(pos.astype(jnp.float32).reshape(D, T), (1, 0))

    mesh = plsc.VectorSubcoreMesh(core_axis_name="c", subcore_axis_name="s")
    run = functools.partial(
        pl.kernel,
        mesh=mesh,
        out_type=jax.ShapeDtypeStruct((D, TJ, BJ, 1024), jnp.float32),
        scratch_types=[
            pltpu.VMEM((TJ, 8, 128), jnp.int32),
            pltpu.VMEM((T, D), jnp.float32),
            pltpu.VMEM((2, 128, D), jnp.float32),
            pltpu.VMEM((2, 128, D), jnp.float32),
            pltpu.VMEM((D, OSTRIDE), jnp.float32),
            pltpu.VMEM((D, OSTRIDE), jnp.float32),
            pltpu.SemaphoreType.DMA,
            pltpu.SemaphoreType.DMA,
            pltpu.SemaphoreType.DMA,
            pltpu.SemaphoreType.DMA,
        ],
        compiler_params=pltpu.CompilerParams(needs_layout_passes=False,
                                             use_tc_tiling_on_sc=False),
    )(_body)
    out5 = run(rid4, post, table)
    return (out5.reshape(D, TJ, BJ, 8, 128)
            .transpose(2, 4, 0, 1, 3)
            .reshape(B, D, T))

# --- scband reference (transcript-rebuilt; emitter-appended) ---
"""Pipeline reference for scband-road-topology-encoder-11278584119534 (READ-ONLY COPY).

The authoritative reference and input builder live on the scoring server;
editing this copy changes nothing except your own understanding.
"""

import jax, jax.numpy as jnp
import numpy as np

N_SEG = 1000000
D = 64
T = 200
B = 4096

def setup_inputs(seed: int = 0) -> dict:
    key = jax.random.key(seed)
    k1, k2, k3 = jax.random.split(key, 3)
    rid = jax.random.randint(k1, (B, T), 0, N_SEG, dtype=jnp.int64) if jax.config.jax_enable_x64 else jax.random.randint(k1, (B, T), 0, N_SEG, dtype=jnp.int32)
    table = jax.random.normal(k2, (N_SEG, D), dtype=jnp.float32)
    pos = jax.random.normal(k3, (1, D, T), dtype=jnp.float32)
    return {"rid": rid, "table": table, "pos": pos}

def reference(rid, table, pos):
    # embedding lookup: [B, T, d]
    x = jnp.take(table, rid, axis=0)
    # transpose(1, 2): [B, d, T]
    x = jnp.transpose(x, (0, 2, 1))
    # add learned positional parameter [1, d, T]
    return x + pos

if __name__ == "__main__":
    import jax
    _d = setup_inputs()
    print(jax.jit(kernel)(*tuple(_d.values())))

</pallas_src>

<mosaic_0001>
#map = affine_map<(d0, d1) -> (0, 0, 0, 0)>
#map1 = affine_map<(d0, d1) -> (0, 0)>
module attributes {stable_mosaic.version = 14 : i64} {
  func.func @_body(%arg0: i32, %arg1: i32, %arg2: memref<25x32x8x128xi32, #tpu.memory_space<hbm>>, %arg3: memref<200x64xf32, #tpu.memory_space<hbm>>, %arg4: memref<1000000x64xf32, #tpu.memory_space<hbm>>, %arg5: memref<64x25x32x1024xf32, #tpu.memory_space<hbm>>, %arg6: memref<25x8x128xi32, #tpu.memory_space<vmem>>, %arg7: memref<200x64xf32, #tpu.memory_space<vmem>>, %arg8: memref<2x128x64xf32, #tpu.memory_space<vmem>>, %arg9: memref<2x128x64xf32, #tpu.memory_space<vmem>>, %arg10: memref<64x257xf32, #tpu.memory_space<vmem>>, %arg11: memref<64x257xf32, #tpu.memory_space<vmem>>, %arg12: memref<!tpu.dma_semaphore, #tpu.memory_space<semaphore_mem>>, %arg13: memref<!tpu.dma_semaphore, #tpu.memory_space<semaphore_mem>>, %arg14: memref<!tpu.dma_semaphore, #tpu.memory_space<semaphore_mem>>, %arg15: memref<!tpu.dma_semaphore, #tpu.memory_space<semaphore_mem>>) attributes {dimension_semantics = [#tpu.dimension_semantics<core_parallel>, #tpu.dimension_semantics<subcore_parallel>], iteration_bounds = array<i64: 2, 16>, scalar_prefetch = 0 : i64, scratch_operands = 10 : i64, tpu.core_type = #tpu.core_type<sc_vector_subcore>, window_params = [{transform_indices = #map}, {transform_indices = #map1}, {transform_indices = #map1}, {transform_indices = #map}]} {
    %mul3A = arith.constant 2 : i32
    %mul3A_0 = arith.muli %arg1, %mul3A : i32
    %add3A = arith.addi %mul3A_0, %arg0 : i32
    "tpu.region"() ({
      %run_scoped3A = tpu.sem_alloc : memref<!tpu.dma_semaphore, #tpu.memory_space<semaphore_mem>>
      tpu.enqueue_dma source(%arg3 : memref<200x64xf32, #tpu.memory_space<hbm>>) target(%arg7 : memref<200x64xf32, #tpu.memory_space<vmem>>) target_semaphore(%run_scoped3A : memref<!tpu.dma_semaphore, #tpu.memory_space<semaphore_mem>>)
      tpu.wait_dma2 semaphore(%run_scoped3A : memref<!tpu.dma_semaphore, #tpu.memory_space<semaphore_mem>>) src(%arg3 : memref<200x64xf32, #tpu.memory_space<hbm>>) dst(%arg7 : memref<200x64xf32, #tpu.memory_space<vmem>>)
      tpu.yield
    }) : () -> ()
    "tpu.region"() ({
      %run_scoped3A = tpu.sem_alloc : memref<!tpu.dma_semaphore, #tpu.memory_space<semaphore_mem>>
      %dma_start3A_102 = arith.constant 0 : i32
      %dma_start3A_103 = arith.constant 0 : i32
      %dma_start3A_104 = arith.constant 0 : i32
      %dma_start3A_105 = tpu.memref_slice %arg2[%dma_start3A_102, %add3A, %dma_start3A_103, %dma_start3A_104] : memref<25x32x8x128xi32, #tpu.memory_space<hbm>> -> memref<25x1x8x128xi32, #tpu.memory_space<hbm>>
      %dma_start3A_106 = tpu.memref_squeeze %dma_start3A_105 : memref<25x1x8x128xi32, #tpu.memory_space<hbm>> -> memref<25x8x128xi32, #tpu.memory_space<hbm>>
      %dma_start3A_107 = arith.constant 0 : i32
      %dma_start3A_108 = arith.constant 0 : i32
      %dma_start3A_109 = arith.constant 0 : i32
      %dma_start3A_110 = tpu.memref_slice %arg2[%dma_start3A_107, %add3A, %dma_start3A_108, %dma_start3A_109] : memref<25x32x8x128xi32, #tpu.memory_space<hbm>> -> memref<25x1x8x128xi32, #tpu.memory_space<hbm>>
      %dma_start3A_111 = tpu.memref_squeeze %dma_start3A_110 : memref<25x1x8x128xi32, #tpu.memory_space<hbm>> -> memref<25x8x128xi32, #tpu.memory_space<hbm>>
      tpu.enqueue_dma source(%dma_start3A_111 : memref<25x8x128xi32, #tpu.memory_space<hbm>>) target(%arg6 : memref<25x8x128xi32, #tpu.memory_space<vmem>>) target_semaphore(%run_scoped3A : memref<!tpu.dma_semaphore, #tpu.memory_space<semaphore_mem>>)
      %dma_wait3A_112 = arith.constant 0 : i32
      %dma_wait3A_113 = arith.constant 0 : i32
      %dma_wait3A_114 = arith.constant 0 : i32
      %dma_wait3A_115 = tpu.memref_slice %arg2[%dma_wait3A_112, %add3A, %dma_wait3A_113, %dma_wait3A_114] : memref<25x32x8x128xi32, #tpu.memory_space<hbm>> -> memref<25x1x8x128xi32, #tpu.memory_space<hbm>>
      %dma_wait3A_116 = tpu.memref_squeeze %dma_wait3A_115 : memref<25x1x8x128xi32, #tpu.memory_space<hbm>> -> memref<25x8x128xi32, #tpu.memory_space<hbm>>
      %dma_wait3A_117 = arith.constant 0 : i32
      %dma_wait3A_118 = arith.constant 0 : i32
      %dma_wait3A_119 = arith.constant 0 : i32
      %dma_wait3A_120 = tpu.memref_slice %arg2[%dma_wait3A_117, %add3A, %dma_wait3A_118, %dma_wait3A_119] : memref<25x32x8x128xi32, #tpu.memory_space<hbm>> -> memref<25x1x8x128xi32, #tpu.memory_space<hbm>>
      %dma_wait3A_121 = tpu.memref_squeeze %dma_wait3A_120 : memref<25x1x8x128xi32, #tpu.memory_space<hbm>> -> memref<25x8x128xi32, #tpu.memory_space<hbm>>
      tpu.wait_dma2 semaphore(%run_scoped3A : memref<!tpu.dma_semaphore, #tpu.memory_space<semaphore_mem>>) src(%dma_wait3A_121 : memref<25x8x128xi32, #tpu.memory_space<hbm>>) dst(%arg6 : memref<25x8x128xi32, #tpu.memory_space<vmem>>)
      tpu.yield
    }) : () -> ()
    %iota3A = tpu.iota {dimensions = array<i32: 0>} : vector<16xi32>
    %shift_right_logical3A = arith.constant 0 : i32
    %shift_right_logical3A_1 = arith.constant 2 : i32
    %shift_right_logical3A_2 = arith.shrui %shift_right_logical3A, %shift_right_logical3A_1 : i32
    %rem3A = arith.constant 0 : i32
    %rem3A_3 = arith.constant 4 : i32
    %rem3A_4 = arith.remsi %rem3A, %rem3A_3 : i32
    %mul3A_5 = arith.constant 2 : i32
    %mul3A_6 = arith.muli %rem3A_4, %mul3A_5 : i32
    %add3A_7 = arith.constant 0 : i32
    %add3A_8 = arith.addi %mul3A_6, %add3A_7 : i32
    %dma_start3A = arith.constant 0 : i32
    %dma_start3A_9 = arith.constant 0 : i32
    %dma_start3A_10 = arith.constant 0 : i32
    %dma_start3A_11 = tpu.memref_slice %arg8[%dma_start3A, %dma_start3A_9, %dma_start3A_10] : memref<2x128x64xf32, #tpu.memory_space<vmem>> -> memref<1x128x64xf32, #tpu.memory_space<vmem>>
    %dma_start3A_12 = tpu.memref_squeeze %dma_start3A_11 : memref<1x128x64xf32, #tpu.memory_space<vmem>> -> memref<128x64xf32, #tpu.memory_space<vmem>>
    %dma_start3A_13 = arith.constant 0 : i32
    %dma_start3A_14 = tpu.memref_slice %arg6[%shift_right_logical3A_2, %add3A_8, %dma_start3A_13] : memref<25x8x128xi32, #tpu.memory_space<vmem>> -> memref<1x1x128xi32, #tpu.memory_space<vmem>>
    %dma_start3A_15 = tpu.memref_squeeze %dma_start3A_14 : memref<1x1x128xi32, #tpu.memory_space<vmem>> -> memref<128xi32, #tpu.memory_space<vmem>>
    %dma_start3A_16 = arith.constant 0 : i32
    %dma_start3A_17 = arith.constant 0 : i32
    %dma_start3A_18 = tpu.memref_slice %arg4[%dma_start3A_16, %dma_start3A_17] : memref<1000000x64xf32, #tpu.memory_space<hbm>> -> memref<1000000x64xf32, #tpu.memory_space<hbm>>
    tpu.enqueue_indirect_dma source(%dma_start3A_18 : memref<1000000x64xf32, #tpu.memory_space<hbm>>) target(%dma_start3A_12 : memref<128x64xf32, #tpu.memory_space<vmem>>) offsets(%dma_start3A_15 : memref<128xi32, #tpu.memory_space<vmem>>) semaphore(%arg12 : memref<!tpu.dma_semaphore, #tpu.memory_space<semaphore_mem>>)
    %add3A_19 = arith.constant 1 : i32
    %add3A_20 = arith.addi %mul3A_6, %add3A_19 : i32
    %dma_start3A_21 = arith.constant 1 : i32
    %dma_start3A_22 = arith.constant 0 : i32
    %dma_start3A_23 = arith.constant 0 : i32
    %dma_start3A_24 = tpu.memref_slice %arg8[%dma_start3A_21, %dma_start3A_22, %dma_start3A_23] : memref<2x128x64xf32, #tpu.memory_space<vmem>> -> memref<1x128x64xf32, #tpu.memory_space<vmem>>
    %dma_start3A_25 = tpu.memref_squeeze %dma_start3A_24 : memref<1x128x64xf32, #tpu.memory_space<vmem>> -> memref<128x64xf32, #tpu.memory_space<vmem>>
    %dma_start3A_26 = arith.constant 0 : i32
    %dma_start3A_27 = tpu.memref_slice %arg6[%shift_right_logical3A_2, %add3A_20, %dma_start3A_26] : memref<25x8x128xi32, #tpu.memory_space<vmem>> -> memref<1x1x128xi32, #tpu.memory_space<vmem>>
    %dma_start3A_28 = tpu.memref_squeeze %dma_start3A_27 : memref<1x1x128xi32, #tpu.memory_space<vmem>> -> memref<128xi32, #tpu.memory_space<vmem>>
    %dma_start3A_29 = arith.constant 0 : i32
    %dma_start3A_30 = arith.constant 0 : i32
    %dma_start3A_31 = tpu.memref_slice %arg4[%dma_start3A_29, %dma_start3A_30] : memref<1000000x64xf32, #tpu.memory_space<hbm>> -> memref<1000000x64xf32, #tpu.memory_space<hbm>>
    tpu.enqueue_indirect_dma source(%dma_start3A_31 : memref<1000000x64xf32, #tpu.memory_space<hbm>>) target(%dma_start3A_25 : memref<128x64xf32, #tpu.memory_space<vmem>>) offsets(%dma_start3A_28 : memref<128xi32, #tpu.memory_space<vmem>>) semaphore(%arg12 : memref<!tpu.dma_semaphore, #tpu.memory_space<semaphore_mem>>)
    %shift_right_logical3A_32 = arith.constant 1 : i32
    %shift_right_logical3A_33 = arith.constant 2 : i32
    %shift_right_logical3A_34 = arith.shrui %shift_right_logical3A_32, %shift_right_logical3A_33 : i32
    %rem3A_35 = arith.constant 1 : i32
    %rem3A_36 = arith.constant 4 : i32
    %rem3A_37 = arith.remsi %rem3A_35, %rem3A_36 : i32
    %mul3A_38 = arith.constant 2 : i32
    %mul3A_39 = arith.muli %rem3A_37, %mul3A_38 : i32
    %add3A_40 = arith.constant 0 : i32
    %add3A_41 = arith.addi %mul3A_39, %add3A_40 : i32
    %dma_start3A_42 = arith.constant 0 : i32
    %dma_start3A_43 = arith.constant 0 : i32
    %dma_start3A_44 = arith.constant 0 : i32
    %dma_start3A_45 = tpu.memref_slice %arg9[%dma_start3A_42, %dma_start3A_43, %dma_start3A_44] : memref<2x128x64xf32, #tpu.memory_space<vmem>> -> memref<1x128x64xf32, #tpu.memory_space<vmem>>
    %dma_start3A_46 = tpu.memref_squeeze %dma_start3A_45 : memref<1x128x64xf32, #tpu.memory_space<vmem>> -> memref<128x64xf32, #tpu.memory_space<vmem>>
    %dma_start3A_47 = arith.constant 0 : i32
    %dma_start3A_48 = tpu.memref_slice %arg6[%shift_right_logical3A_34, %add3A_41, %dma_start3A_47] : memref<25x8x128xi32, #tpu.memory_space<vmem>> -> memref<1x1x128xi32, #tpu.memory_space<vmem>>
    %dma_start3A_49 = tpu.memref_squeeze %dma_start3A_48 : memref<1x1x128xi32, #tpu.memory_space<vmem>> -> memref<128xi32, #tpu.memory_space<vmem>>
    %dma_start3A_50 = arith.constant 0 : i32
    %dma_start3A_51 = arith.constant 0 : i32
    %dma_start3A_52 = tpu.memref_slice %arg4[%dma_start3A_50, %dma_start3A_51] : memref<1000000x64xf32, #tpu.memory_space<hbm>> -> memref<1000000x64xf32, #tpu.memory_space<hbm>>
    tpu.enqueue_indirect_dma source(%dma_start3A_52 : memref<1000000x64xf32, #tpu.memory_space<hbm>>) target(%dma_start3A_46 : memref<128x64xf32, #tpu.memory_space<vmem>>) offsets(%dma_start3A_49 : memref<128xi32, #tpu.memory_space<vmem>>) semaphore(%arg13 : memref<!tpu.dma_semaphore, #tpu.memory_space<semaphore_mem>>)
    %add3A_53 = arith.constant 1 : i32
    %add3A_54 = arith.addi %mul3A_39, %add3A_53 : i32
    %dma_start3A_55 = arith.constant 1 : i32
    %dma_start3A_56 = arith.constant 0 : i32
    %dma_start3A_57 = arith.constant 0 : i32
    %dma_start3A_58 = tpu.memref_slice %arg9[%dma_start3A_55, %dma_start3A_56, %dma_start3A_57] : memref<2x128x64xf32, #tpu.memory_space<vmem>> -> memref<1x128x64xf32, #tpu.memory_space<vmem>>
    %dma_start3A_59 = tpu.memref_squeeze %dma_start3A_58 : memref<1x128x64xf32, #tpu.memory_space<vmem>> -> memref<128x64xf32, #tpu.memory_space<vmem>>
    %dma_start3A_60 = arith.constant 0 : i32
    %dma_start3A_61 = tpu.memref_slice %arg6[%shift_right_logical3A_34, %add3A_54, %dma_start3A_60] : memref<25x8x128xi32, #tpu.memory_space<vmem>> -> memref<1x1x128xi32, #tpu.memory_space<vmem>>
    %dma_start3A_62 = tpu.memref_squeeze %dma_start3A_61 : memref<1x1x128xi32, #tpu.memory_space<vmem>> -> memref<128xi32, #tpu.memory_space<vmem>>
    %dma_start3A_63 = arith.constant 0 : i32
    %dma_start3A_64 = arith.constant 0 : i32
    %dma_start3A_65 = tpu.memref_slice %arg4[%dma_start3A_63, %dma_start3A_64] : memref<1000000x64xf32, #tpu.memory_space<hbm>> -> memref<1000000x64xf32, #tpu.memory_space<hbm>>
    tpu.enqueue_indirect_dma source(%dma_start3A_65 : memref<1000000x64xf32, #tpu.memory_space<hbm>>) target(%dma_start3A_59 : memref<128x64xf32, #tpu.memory_space<vmem>>) offsets(%dma_start3A_62 : memref<128xi32, #tpu.memory_space<vmem>>) semaphore(%arg13 : memref<!tpu.dma_semaphore, #tpu.memory_space<semaphore_mem>>)
    %scan3A = arith.constant 0 : i32
    %scan3A_66 = arith.constant 0 : i32
    %scan3A_67 = arith.constant 50 : i32
    %scan3A_68 = arith.addi %scan3A_66, %scan3A_67 : i32
    %scan3A_69 = arith.constant 1 : i32
    scf.for %scan3A_102 = %scan3A_66 to %scan3A_68 step %scan3A_69  : i32 {
      %mul3A_103 = arith.constant 2 : i32
      %mul3A_104 = arith.muli %mul3A_103, %scan3A_102 : i32
      %add3A_105 = arith.constant 0 : i32
      %add3A_106 = arith.addi %mul3A_104, %add3A_105 : i32
      %shift_right_logical3A_107 = arith.constant 2 : i32
      %shift_right_logical3A_108 = arith.shrui %add3A_106, %shift_right_logical3A_107 : i32
      %rem3A_109 = arith.constant 4 : i32
      %rem3A_110 = arith.remsi %add3A_106, %rem3A_109 : i32
      %mul3A_111 = arith.constant 2 : i32
      %mul3A_112 = arith.muli %rem3A_110, %mul3A_111 : i32
      %dma_wait3A_113 = arith.constant 0 : i32
      %dma_wait3A_114 = arith.constant 0 : i32
      %dma_wait3A_115 = arith.constant 0 : i32
      %dma_wait3A_116 = arith.constant 0 : i32
      %dma_wait3A_117 = arith.constant 0 : i32
      %dma_wait3A_118 = tpu.memref_slice %arg8[%dma_wait3A_115, %dma_wait3A_116, %dma_wait3A_117] : memref<2x128x64xf32, #tpu.memory_space<vmem>> -> memref<1x128x64xf32, #tpu.memory_space<vmem>>
      %dma_wait3A_119 = tpu.memref_squeeze %dma_wait3A_118 : memref<1x128x64xf32, #tpu.memory_space<vmem>> -> memref<128x64xf32, #tpu.memory_space<vmem>>
      %dma_wait3A_120 = arith.constant 0 : i32
      %dma_wait3A_121 = tpu.memref_slice %arg6[%dma_wait3A_113, %dma_wait3A_114, %dma_wait3A_120] : memref<25x8x128xi32, #tpu.memory_space<vmem>> -> memref<1x1x128xi32, #tpu.memory_space<vmem>>
      %dma_wait3A_122 = tpu.memref_squeeze %dma_wait3A_121 : memref<1x1x128xi32, #tpu.memory_space<vmem>> -> memref<128xi32, #tpu.memory_space<vmem>>
      %dma_wait3A_123 = arith.constant 0 : i32
      %dma_wait3A_124 = arith.constant 0 : i32
      %dma_wait3A_125 = tpu.memref_slice %arg4[%dma_wait3A_123, %dma_wait3A_124] : memref<1000000x64xf32, #tpu.memory_space<hbm>> -> memref<1000000x64xf32, #tpu.memory_space<hbm>>
      tpu.wait_indirect_dma semaphore(%arg12 : memref<!tpu.dma_semaphore, #tpu.memory_space<semaphore_mem>>) src(%dma_wait3A_125 : memref<1000000x64xf32, #tpu.memory_space<hbm>>) dst(%dma_wait3A_119 : memref<128x64xf32, #tpu.memory_space<vmem>>)
      %dma_wait3A_126 = arith.constant 0 : i32
      %dma_wait3A_127 = arith.constant 0 : i32
      %dma_wait3A_128 = arith.constant 1 : i32
      %dma_wait3A_129 = arith.constant 0 : i32
      %dma_wait3A_130 = arith.constant 0 : i32
      %dma_wait3A_131 = tpu.memref_slice %arg8[%dma_wait3A_128, %dma_wait3A_129, %dma_wait3A_130] : memref<2x128x64xf32, #tpu.memory_space<vmem>> -> memref<1x128x64xf32, #tpu.memory_space<vmem>>
      %dma_wait3A_132 = tpu.memref_squeeze %dma_wait3A_131 : memref<1x128x64xf32, #tpu.memory_space<vmem>> -> memref<128x64xf32, #tpu.memory_space<vmem>>
      %dma_wait3A_133 = arith.constant 0 : i32
      %dma_wait3A_134 = tpu.memref_slice %arg6[%dma_wait3A_126, %dma_wait3A_127, %dma_wait3A_133] : memref<25x8x128xi32, #tpu.memory_space<vmem>> -> memref<1x1x128xi32, #tpu.memory_space<vmem>>
      %dma_wait3A_135 = tpu.memref_squeeze %dma_wait3A_134 : memref<1x1x128xi32, #tpu.memory_space<vmem>> -> memref<128xi32, #tpu.memory_space<vmem>>
      %dma_wait3A_136 = arith.constant 0 : i32
      %dma_wait3A_137 = arith.constant 0 : i32
      %dma_wait3A_138 = tpu.memref_slice %arg4[%dma_wait3A_136, %dma_wait3A_137] : memref<1000000x64xf32, #tpu.memory_space<hbm>> -> memref<1000000x64xf32, #tpu.memory_space<hbm>>
      tpu.wait_indirect_dma semaphore(%arg12 : memref<!tpu.dma_semaphore, #tpu.memory_space<semaphore_mem>>) src(%dma_wait3A_138 : memref<1000000x64xf32, #tpu.memory_space<hbm>>) dst(%dma_wait3A_132 : memref<128x64xf32, #tpu.memory_space<vmem>>)
      %ge3A = arith.constant 2 : i32
      %ge3A_139 = arith.cmpi sge, %add3A_106, %ge3A : i32
      %convert_element_type3A = arith.extui %ge3A_139 : i1 to i32
      %cond3A = arith.constant 0 : i32
      %cond3A_140 = arith.cmpi ne, %convert_element_type3A, %cond3A : i32
      scf.if %cond3A_140 {
        %dma_wait3A_313 = arith.constant 0 : i32
        %dma_wait3A_314 = arith.constant 0 : i32
        %dma_wait3A_315 = arith.constant 0 : i32
        %dma_wait3A_316 = arith.constant 0 : i32
        %dma_wait3A_317 = tpu.memref_slice %arg10[%dma_wait3A_315, %dma_wait3A_316] : memref<64x257xf32, #tpu.memory_space<vmem>> -> memref<64x256xf32, #tpu.memory_space<vmem>>
        %dma_wait3A_318 = arith.constant 0 : i32
        %dma_wait3A_319 = arith.constant 0 : i32
        %dma_wait3A_320 = tpu.memref_slice %arg5[%dma_wait3A_318, %dma_wait3A_313, %dma_wait3A_314, %dma_wait3A_319] : memref<64x25x32x1024xf32, #tpu.memory_space<hbm>> -> memref<64x1x1x256xf32, #tpu.memory_space<hbm>>
        %dma_wait3A_321 = tpu.memref_squeeze %dma_wait3A_320 : memref<64x1x1x256xf32, #tpu.memory_space<hbm>> -> memref<64x256xf32, #tpu.memory_space<hbm>>
        %dma_wait3A_322 = arith.constant 0 : i32
        %dma_wait3A_323 = arith.constant 0 : i32
        %dma_wait3A_324 = tpu.memref_slice %arg5[%dma_wait3A_322, %dma_wait3A_313, %dma_wait3A_314, %dma_wait3A_323] : memref<64x25x32x1024xf32, #tpu.memory_space<hbm>> -> memref<64x1x1x256xf32, #tpu.memory_space<hbm>>
        %dma_wait3A_325 = tpu.memref_squeeze %dma_wait3A_324 : memref<64x1x1x256xf32, #tpu.memory_space<hbm>> -> memref<64x256xf32, #tpu.memory_space<hbm>>
        %dma_wait3A_326 = arith.constant 0 : i32
        %dma_wait3A_327 = arith.constant 0 : i32
        %dma_wait3A_328 = tpu.memref_slice %arg10[%dma_wait3A_326, %dma_wait3A_327] : memref<64x257xf32, #tpu.memory_space<vmem>> -> memref<64x256xf32, #tpu.memory_space<vmem>>
        tpu.wait_dma2 semaphore(%arg14 : memref<!tpu.dma_semaphore, #tpu.memory_space<semaphore_mem>>) src(%dma_wait3A_328 : memref<64x256xf32, #tpu.memory_space<vmem>>) dst(%dma_wait3A_325 : memref<64x256xf32, #tpu.memory_space<hbm>>)
      } else {
      }
      %mul3A_141 = arith.constant 8 : i32
      %mul3A_142 = arith.muli %shift_right_logical3A_108, %mul3A_141 : i32
      %add3A_143 = arith.addi %mul3A_142, %mul3A_112 : i32
      %add3A_144 = arith.constant 0 : i32
      %add3A_145 = arith.addi %add3A_143, %add3A_144 : i32
      %get3A = arith.index_cast %add3A_145 : i32 to index
      %get3A_146 = arith.constant 0 : index
      %get3A_147 = tpu.vector_load %arg7[%get3A, %get3A_146] {strides = array<i32>} : memref<200x64xf32, #tpu.memory_space<vmem>>, vector<16xf32>,
      %get3A_148 = arith.index_cast %add3A_145 : i32 to index
      %get3A_149 = arith.constant 16 : index
      %get3A_150 = tpu.vector_load %arg7[%get3A_148, %get3A_149] {strides = array<i32>} : memref<200x64xf32, #tpu.memory_space<vmem>>, vector<16xf32>,
      %get3A_151 = arith.index_cast %add3A_145 : i32 to index
      %get3A_152 = arith.constant 32 : index
      %get3A_153 = tpu.vector_load %arg7[%get3A_151, %get3A_152] {strides = array<i32>} : memref<200x64xf32, #tpu.memory_space<vmem>>, vector<16xf32>,
      %get3A_154 = arith.index_cast %add3A_145 : i32 to index
      %get3A_155 = arith.constant 48 : index
      %get3A_156 = tpu.vector_load %arg7[%get3A_154, %get3A_155] {strides = array<i32>} : memref<200x64xf32, #tpu.memory_space<vmem>>, vector<16xf32>,
      %parallel_loop3A = arith.constant 0 : i32
      %parallel_loop3A_157 = arith.constant 128 : i32
      %parallel_loop3A_158 = arith.constant 1 : i32
      scf.for %parallel_loop3A_313 = %parallel_loop3A to %parallel_loop3A_157 step %parallel_loop3A_158  : i32 {
        %parallel_loop3A_314 = arith.constant 0 : i32
        %parallel_loop3A_315 = vector.broadcast %parallel_loop3A_314 : i32 to vector<16xi32>
        %parallel_loop3A_316 = arith.constant 0 : i32
        %parallel_loop3A_317 = arith.addi %parallel_loop3A_316, %parallel_loop3A_313 : i32
        %parallel_loop3A_318 = vector.broadcast %parallel_loop3A_317 : i32 to vector<16xi32>
        %parallel_loop3A_319 = arith.addi %parallel_loop3A_315, %parallel_loop3A_318 : vector<16xi32>
        %parallel_loop3A_320 = arith.constant 0 : i32
        %parallel_loop3A_321 = arith.index_cast %parallel_loop3A_320 : i32 to index
        %parallel_loop3A_322 = arith.index_cast %parallel_loop3A_313 : i32 to index
        %parallel_loop3A_323 = arith.constant 0 : index
        %parallel_loop3A_324 = tpu.vector_load %arg8[%parallel_loop3A_321, %parallel_loop3A_322, %parallel_loop3A_323] {strides = array<i32>} : memref<2x128x64xf32, #tpu.memory_space<vmem>>, vector<16xf32>,
        %parallel_loop3A_325 = arith.constant 0 : i32
        %parallel_loop3A_326 = vector.broadcast %parallel_loop3A_325 : i32 to vector<16xi32>
        %parallel_loop3A_327 = arith.addi %parallel_loop3A_326, %iota3A : vector<16xi32>
        %parallel_loop3A_328 = arith.addf %parallel_loop3A_324, %get3A_147 : vector<16xf32>
        tpu.vector_store_idx %arg10[%parallel_loop3A_327, %parallel_loop3A_319], %parallel_loop3A_328 : memref<64x257xf32, #tpu.memory_space<vmem>>[vector<16xi32>, vector<16xi32>], vector<16xf32>,
        %parallel_loop3A_329 = arith.constant 0 : i32
        %parallel_loop3A_330 = arith.index_cast %parallel_loop3A_329 : i32 to index
        %parallel_loop3A_331 = arith.index_cast %parallel_loop3A_313 : i32 to index
        %parallel_loop3A_332 = arith.constant 16 : index
        %parallel_loop3A_333 = tpu.vector_load %arg8[%parallel_loop3A_330, %parallel_loop3A_331, %parallel_loop3A_332] {strides = array<i32>} : memref<2x128x64xf32, #tpu.memory_space<vmem>>, vector<16xf32>,
        %parallel_loop3A_334 = arith.constant 16 : i32
        %parallel_loop3A_335 = vector.broadcast %parallel_loop3A_334 : i32 to vector<16xi32>
        %parallel_loop3A_336 = arith.addi %parallel_loop3A_335, %iota3A : vector<16xi32>
        %parallel_loop3A_337 = arith.addf %parallel_loop3A_333, %get3A_150 : vector<16xf32>
        tpu.vector_store_idx %arg10[%parallel_loop3A_336, %parallel_loop3A_319], %parallel_loop3A_337 : memref<64x257xf32, #tpu.memory_space<vmem>>[vector<16xi32>, vector<16xi32>], vector<16xf32>,
        %parallel_loop3A_338 = arith.constant 0 : i32
        %parallel_loop3A_339 = arith.index_cast %parallel_loop3A_338 : i32 to index
        %parallel_loop3A_340 = arith.index_cast %parallel_loop3A_313 : i32 to index
        %parallel_loop3A_341 = arith.constant 32 : index
        %parallel_loop3A_342 = tpu.vector_load %arg8[%parallel_loop3A_339, %parallel_loop3A_340, %parallel_loop3A_341] {strides = array<i32>} : memref<2x128x64xf32, #tpu.memory_space<vmem>>, vector<16xf32>,
        %parallel_loop3A_343 = arith.constant 32 : i32
        %parallel_loop3A_344 = vector.broadcast %parallel_loop3A_343 : i32 to vector<16xi32>
        %parallel_loop3A_345 = arith.addi %parallel_loop3A_344, %iota3A : vector<16xi32>
        %parallel_loop3A_346 = arith.addf %parallel_loop3A_342, %get3A_153 : vector<16xf32>
        tpu.vector_store_idx %arg10[%parallel_loop3A_345, %parallel_loop3A_319], %parallel_loop3A_346 : memref<64x257xf32, #tpu.memory_space<vmem>>[vector<16xi32>, vector<16xi32>], vector<16xf32>,
        %parallel_loop3A_347 = arith.constant 0 : i32
        %parallel_loop3A_348 = arith.index_cast %parallel_loop3A_347 : i32 to index
        %parallel_loop3A_349 = arith.index_cast %parallel_loop3A_313 : i32 to index
        %parallel_loop3A_350 = arith.constant 48 : index
        %parallel_loop3A_351 = tpu.vector_load %arg8[%parallel_loop3A_348, %parallel_loop3A_349, %parallel_loop3A_350] {strides = array<i32>} : memref<2x128x64xf32, #tpu.memory_space<vmem>>, vector<16xf32>,
        %parallel_loop3A_352 = arith.constant 48 : i32
        %parallel_loop3A_353 = vector.broadcast %parallel_loop3A_352 : i32 to vector<16xi32>
        %parallel_loop3A_354 = arith.addi %parallel_loop3A_353, %iota3A : vector<16xi32>
        %parallel_loop3A_355 = arith.addf %parallel_loop3A_351, %get3A_156 : vector<16xf32>
        tpu.vector_store_idx %arg10[%parallel_loop3A_354, %parallel_loop3A_319], %parallel_loop3A_355 : memref<64x257xf32, #tpu.memory_space<vmem>>[vector<16xi32>, vector<16xi32>], vector<16xf32>,
      } {sc.loop_unroll_factor = 8 : i64, sc.parallel_access}
      %mul3A_159 = arith.constant 8 : i32
      %mul3A_160 = arith.muli %shift_right_logical3A_108, %mul3A_159 : i32
      %add3A_161 = arith.addi %mul3A_160, %mul3A_112 : i32
      %add3A_162 = arith.constant 1 : i32
      %add3A_163 = arith.addi %add3A_161, %add3A_162 : i32
      %get3A_164 = arith.index_cast %add3A_163 : i32 to index
      %get3A_165 = arith.constant 0 : index
      %get3A_166 = tpu.vector_load %arg7[%get3A_164, %get3A_165] {strides = array<i32>} : memref<200x64xf32, #tpu.memory_space<vmem>>, vector<16xf32>,
      %get3A_167 = arith.index_cast %add3A_163 : i32 to index
      %get3A_168 = arith.constant 16 : index
      %get3A_169 = tpu.vector_load %arg7[%get3A_167, %get3A_168] {strides = array<i32>} : memref<200x64xf32, #tpu.memory_space<vmem>>, vector<16xf32>,
      %get3A_170 = arith.index_cast %add3A_163 : i32 to index
      %get3A_171 = arith.constant 32 : index
      %get3A_172 = tpu.vector_load %arg7[%get3A_170, %get3A_171] {strides = array<i32>} : memref<200x64xf32, #tpu.memory_space<vmem>>, vector<16xf32>,
      %get3A_173 = arith.index_cast %add3A_163 : i32 to index
      %get3A_174 = arith.constant 48 : index
      %get3A_175 = tpu.vector_load %arg7[%get3A_173, %get3A_174] {strides = array<i32>} : memref<200x64xf32, #tpu.memory_space<vmem>>, vector<16xf32>,
      %parallel_loop3A_176 = arith.constant 0 : i32
      %parallel_loop3A_177 = arith.constant 128 : i32
      %parallel_loop3A_178 = arith.constant 1 : i32
      scf.for %parallel_loop3A_313 = %parallel_loop3A_176 to %parallel_loop3A_177 step %parallel_loop3A_178  : i32 {
        %parallel_loop3A_314 = arith.constant 0 : i32
        %parallel_loop3A_315 = vector.broadcast %parallel_loop3A_314 : i32 to vector<16xi32>
        %parallel_loop3A_316 = arith.constant 128 : i32
        %parallel_loop3A_317 = arith.addi %parallel_loop3A_316, %parallel_loop3A_313 : i32
        %parallel_loop3A_318 = vector.broadcast %parallel_loop3A_317 : i32 to vector<16xi32>
        %parallel_loop3A_319 = arith.addi %parallel_loop3A_315, %parallel_loop3A_318 : vector<16xi32>
        %parallel_loop3A_320 = arith.constant 1 : i32
        %parallel_loop3A_321 = arith.index_cast %parallel_loop3A_320 : i32 to index
        %parallel_loop3A_322 = arith.index_cast %parallel_loop3A_313 : i32 to index
        %parallel_loop3A_323 = arith.constant 0 : index
        %parallel_loop3A_324 = tpu.vector_load %arg8[%parallel_loop3A_321, %parallel_loop3A_322, %parallel_loop3A_323] {strides = array<i32>} : memref<2x128x64xf32, #tpu.memory_space<vmem>>, vector<16xf32>,
        %parallel_loop3A_325 = arith.constant 0 : i32
        %parallel_loop3A_326 = vector.broadcast %parallel_loop3A_325 : i32 to vector<16xi32>
        %parallel_loop3A_327 = arith.addi %parallel_loop3A_326, %iota3A : vector<16xi32>
        %parallel_loop3A_328 = arith.addf %parallel_loop3A_324, %get3A_166 : vector<16xf32>
        tpu.vector_store_idx %arg10[%parallel_loop3A_327, %parallel_loop3A_319], %parallel_loop3A_328 : memref<64x257xf32, #tpu.memory_space<vmem>>[vector<16xi32>, vector<16xi32>], vector<16xf32>,
        %parallel_loop3A_329 = arith.constant 1 : i32
        %parallel_loop3A_330 = arith.index_cast %parallel_loop3A_329 : i32 to index
        %parallel_loop3A_331 = arith.index_cast %parallel_loop3A_313 : i32 to index
        %parallel_loop3A_332 = arith.constant 16 : index
        %parallel_loop3A_333 = tpu.vector_load %arg8[%parallel_loop3A_330, %parallel_loop3A_331, %parallel_loop3A_332] {strides = array<i32>} : memref<2x128x64xf32, #tpu.memory_space<vmem>>, vector<16xf32>,
        %parallel_loop3A_334 = arith.constant 16 : i32
        %parallel_loop3A_335 = vector.broadcast %parallel_loop3A_334 : i32 to vector<16xi32>
        %parallel_loop3A_336 = arith.addi %parallel_loop3A_335, %iota3A : vector<16xi32>
        %parallel_loop3A_337 = arith.addf %parallel_loop3A_333, %get3A_169 : vector<16xf32>
        tpu.vector_store_idx %arg10[%parallel_loop3A_336, %parallel_loop3A_319], %parallel_loop3A_337 : memref<64x257xf32, #tpu.memory_space<vmem>>[vector<16xi32>, vector<16xi32>], vector<16xf32>,
        %parallel_loop3A_338 = arith.constant 1 : i32
        %parallel_loop3A_339 = arith.index_cast %parallel_loop3A_338 : i32 to index
        %parallel_loop3A_340 = arith.index_cast %parallel_loop3A_313 : i32 to index
        %parallel_loop3A_341 = arith.constant 32 : index
        %parallel_loop3A_342 = tpu.vector_load %arg8[%parallel_loop3A_339, %parallel_loop3A_340, %parallel_loop3A_341] {strides = array<i32>} : memref<2x128x64xf32, #tpu.memory_space<vmem>>, vector<16xf32>,
        %parallel_loop3A_343 = arith.constant 32 : i32
        %parallel_loop3A_344 = vector.broadcast %parallel_loop3A_343 : i32 to vector<16xi32>
        %parallel_loop3A_345 = arith.addi %parallel_loop3A_344, %iota3A : vector<16xi32>
        %parallel_loop3A_346 = arith.addf %parallel_loop3A_342, %get3A_172 : vector<16xf32>
        tpu.vector_store_idx %arg10[%parallel_loop3A_345, %parallel_loop3A_319], %parallel_loop3A_346 : memref<64x257xf32, #tpu.memory_space<vmem>>[vector<16xi32>, vector<16xi32>], vector<16xf32>,
        %parallel_loop3A_347 = arith.constant 1 : i32
        %parallel_loop3A_348 = arith.index_cast %parallel_loop3A_347 : i32 to index
        %parallel_loop3A_349 = arith.index_cast %parallel_loop3A_313 : i32 to index
        %parallel_loop3A_350 = arith.constant 48 : index
        %parallel_loop3A_351 = tpu.vector_load %arg8[%parallel_loop3A_348, %parallel_loop3A_349, %parallel_loop3A_350] {strides = array<i32>} : memref<2x128x64xf32, #tpu.memory_space<vmem>>, vector<16xf32>,
        %parallel_loop3A_352 = arith.constant 48 : i32
        %parallel_loop3A_353 = vector.broadcast %parallel_loop3A_352 : i32 to vector<16xi32>
        %parallel_loop3A_354 = arith.addi %parallel_loop3A_353, %iota3A : vector<16xi32>
        %parallel_loop3A_355 = arith.addf %parallel_loop3A_351, %get3A_175 : vector<16xf32>
        tpu.vector_store_idx %arg10[%parallel_loop3A_354, %parallel_loop3A_319], %parallel_loop3A_355 : memref<64x257xf32, #tpu.memory_space<vmem>>[vector<16xi32>, vector<16xi32>], vector<16xf32>,
      } {sc.loop_unroll_factor = 8 : i64, sc.parallel_access}
      %shift_right_logical3A_179 = arith.constant 2 : i32
      %shift_right_logical3A_180 = arith.shrui %add3A_106, %shift_right_logical3A_179 : i32
      %rem3A_181 = arith.constant 4 : i32
      %rem3A_182 = arith.remsi %add3A_106, %rem3A_181 : i32
      %mul3A_183 = arith.constant 2 : i32
      %mul3A_184 = arith.muli %rem3A_182, %mul3A_183 : i32
      %mul3A_185 = arith.constant 128 : i32
      %mul3A_186 = arith.muli %mul3A_184, %mul3A_185 : i32
      %dma_start3A_187 = arith.constant 0 : i32
      %dma_start3A_188 = arith.constant 0 : i32
      %dma_start3A_189 = tpu.memref_slice %arg10[%dma_start3A_187, %dma_start3A_188] : memref<64x257xf32, #tpu.memory_space<vmem>> -> memref<64x256xf32, #tpu.memory_space<vmem>>
      %dma_start3A_190 = arith.constant 0 : i32
      %dma_start3A_191 = tpu.memref_slice %arg5[%dma_start3A_190, %shift_right_logical3A_180, %add3A, %mul3A_186] : memref<64x25x32x1024xf32, #tpu.memory_space<hbm>> -> memref<64x1x1x256xf32, #tpu.memory_space<hbm>>
      %dma_start3A_192 = tpu.memref_squeeze %dma_start3A_191 : memref<64x1x1x256xf32, #tpu.memory_space<hbm>> -> memref<64x256xf32, #tpu.memory_space<hbm>>
      %dma_start3A_193 = arith.constant 0 : i32
      %dma_start3A_194 = tpu.memref_slice %arg5[%dma_start3A_193, %shift_right_logical3A_180, %add3A, %mul3A_186] : memref<64x25x32x1024xf32, #tpu.memory_space<hbm>> -> memref<64x1x1x256xf32, #tpu.memory_space<hbm>>
      %dma_start3A_195 = tpu.memref_squeeze %dma_start3A_194 : memref<64x1x1x256xf32, #tpu.memory_space<hbm>> -> memref<64x256xf32, #tpu.memory_space<hbm>>
      %dma_start3A_196 = arith.constant 0 : i32
      %dma_start3A_197 = arith.constant 0 : i32
      %dma_start3A_198 = tpu.memref_slice %arg10[%dma_start3A_196, %dma_start3A_197] : memref<64x257xf32, #tpu.memory_space<vmem>> -> memref<64x256xf32, #tpu.memory_space<vmem>>
      tpu.enqueue_dma source(%dma_start3A_198 : memref<64x256xf32, #tpu.memory_space<vmem>>) target(%dma_start3A_195 : memref<64x256xf32, #tpu.memory_space<hbm>>) target_semaphore(%arg14 : memref<!tpu.dma_semaphore, #tpu.memory_space<semaphore_mem>>)
      %add3A_199 = arith.constant 2 : i32
      %add3A_200 = arith.addi %add3A_106, %add3A_199 : i32
      %lt3A = arith.constant 100 : i32
      %lt3A_201 = arith.cmpi slt, %add3A_200, %lt3A : i32
      %convert_element_type3A_202 = arith.extui %lt3A_201 : i1 to i32
      %cond3A_203 = arith.constant 0 : i32
      %cond3A_204 = arith.cmpi ne, %convert_element_type3A_202, %cond3A_203 : i32
      scf.if %cond3A_204 {
        %add3A_313 = arith.constant 2 : i32
        %add3A_314 = arith.addi %add3A_106, %add3A_313 : i32
        %shift_right_logical3A_315 = arith.constant 2 : i32
        %shift_right_logical3A_316 = arith.shrui %add3A_314, %shift_right_logical3A_315 : i32
        %rem3A_317 = arith.constant 4 : i32
        %rem3A_318 = arith.remsi %add3A_314, %rem3A_317 : i32
        %mul3A_319 = arith.constant 2 : i32
        %mul3A_320 = arith.muli %rem3A_318, %mul3A_319 : i32
        %add3A_321 = arith.constant 0 : i32
        %add3A_322 = arith.addi %mul3A_320, %add3A_321 : i32
        %dma_start3A_323 = arith.constant 0 : i32
        %dma_start3A_324 = arith.constant 0 : i32
        %dma_start3A_325 = arith.constant 0 : i32
        %dma_start3A_326 = tpu.memref_slice %arg8[%dma_start3A_323, %dma_start3A_324, %dma_start3A_325] : memref<2x128x64xf32, #tpu.memory_space<vmem>> -> memref<1x128x64xf32, #tpu.memory_space<vmem>>
        %dma_start3A_327 = tpu.memref_squeeze %dma_start3A_326 : memref<1x128x64xf32, #tpu.memory_space<vmem>> -> memref<128x64xf32, #tpu.memory_space<vmem>>
        %dma_start3A_328 = arith.constant 0 : i32
        %dma_start3A_329 = tpu.memref_slice %arg6[%shift_right_logical3A_316, %add3A_322, %dma_start3A_328] : memref<25x8x128xi32, #tpu.memory_space<vmem>> -> memref<1x1x128xi32, #tpu.memory_space<vmem>>
        %dma_start3A_330 = tpu.memref_squeeze %dma_start3A_329 : memref<1x1x128xi32, #tpu.memory_space<vmem>> -> memref<128xi32, #tpu.memory_space<vmem>>
        %dma_start3A_331 = arith.constant 0 : i32
        %dma_start3A_332 = arith.constant 0 : i32
        %dma_start3A_333 = tpu.memref_slice %arg4[%dma_start3A_331, %dma_start3A_332] : memref<1000000x64xf32, #tpu.memory_space<hbm>> -> memref<1000000x64xf32, #tpu.memory_space<hbm>>
        tpu.enqueue_indirect_dma source(%dma_start3A_333 : memref<1000000x64xf32, #tpu.memory_space<hbm>>) target(%dma_start3A_327 : memref<128x64xf32, #tpu.memory_space<vmem>>) offsets(%dma_start3A_330 : memref<128xi32, #tpu.memory_space<vmem>>) semaphore(%arg12 : memref<!tpu.dma_semaphore, #tpu.memory_space<semaphore_mem>>)
        %add3A_334 = arith.constant 1 : i32
        %add3A_335 = arith.addi %mul3A_320, %add3A_334 : i32
        %dma_start3A_336 = arith.constant 1 : i32
        %dma_start3A_337 = arith.constant 0 : i32
        %dma_start3A_338 = arith.constant 0 : i32
        %dma_start3A_339 = tpu.memref_slice %arg8[%dma_start3A_336, %dma_start3A_337, %dma_start3A_338] : memref<2x128x64xf32, #tpu.memory_space<vmem>> -> memref<1x128x64xf32, #tpu.memory_space<vmem>>
        %dma_start3A_340 = tpu.memref_squeeze %dma_start3A_339 : memref<1x128x64xf32, #tpu.memory_space<vmem>> -> memref<128x64xf32, #tpu.memory_space<vmem>>
        %dma_start3A_341 = arith.constant 0 : i32
        %dma_start3A_342 = tpu.memref_slice %arg6[%shift_right_logical3A_316, %add3A_335, %dma_start3A_341] : memref<25x8x128xi32, #tpu.memory_space<vmem>> -> memref<1x1x128xi32, #tpu.memory_space<vmem>>
        %dma_start3A_343 = tpu.memref_squeeze %dma_start3A_342 : memref<1x1x128xi32, #tpu.memory_space<vmem>> -> memref<128xi32, #tpu.memory_space<vmem>>
        %dma_start3A_344 = arith.constant 0 : i32
        %dma_start3A_345 = arith.constant 0 : i32
        %dma_start3A_346 = tpu.memref_slice %arg4[%dma_start3A_344, %dma_start3A_345] : memref<1000000x64xf32, #tpu.memory_space<hbm>> -> memref<1000000x64xf32, #tpu.memory_space<hbm>>
        tpu.enqueue_indirect_dma source(%dma_start3A_346 : memref<1000000x64xf32, #tpu.memory_space<hbm>>) target(%dma_start3A_340 : memref<128x64xf32, #tpu.memory_space<vmem>>) offsets(%dma_start3A_343 : memref<128xi32, #tpu.memory_space<vmem>>) semaphore(%arg12 : memref<!tpu.dma_semaphore, #tpu.memory_space<semaphore_mem>>)
      } else {
      }
      %mul3A_205 = arith.constant 2 : i32
      %mul3A_206 = arith.muli %mul3A_205, %scan3A_102 : i32
      %add3A_207 = arith.constant 1 : i32
      %add3A_208 = arith.addi %mul3A_206, %add3A_207 : i32
      %shift_right_logical3A_209 = arith.constant 2 : i32
      %shift_right_logical3A_210 = arith.shrui %add3A_208, %shift_right_logical3A_209 : i32
      %rem3A_211 = arith.constant 4 : i32
      %rem3A_212 = arith.remsi %add3A_208, %rem3A_211 : i32
      %mul3A_213 = arith.constant 2 : i32
      %mul3A_214 = arith.muli %rem3A_212, %mul3A_213 : i32
      %dma_wait3A_215 = arith.constant 0 : i32
      %dma_wait3A_216 = arith.constant 0 : i32
      %dma_wait3A_217 = arith.constant 0 : i32
      %dma_wait3A_218 = arith.constant 0 : i32
      %dma_wait3A_219 = arith.constant 0 : i32
      %dma_wait3A_220 = tpu.memref_slice %arg9[%dma_wait3A_217, %dma_wait3A_218, %dma_wait3A_219] : memref<2x128x64xf32, #tpu.memory_space<vmem>> -> memref<1x128x64xf32, #tpu.memory_space<vmem>>
      %dma_wait3A_221 = tpu.memref_squeeze %dma_wait3A_220 : memref<1x128x64xf32, #tpu.memory_space<vmem>> -> memref<128x64xf32, #tpu.memory_space<vmem>>
      %dma_wait3A_222 = arith.constant 0 : i32
      %dma_wait3A_223 = tpu.memref_slice %arg6[%dma_wait3A_215, %dma_wait3A_216, %dma_wait3A_222] : memref<25x8x128xi32, #tpu.memory_space<vmem>> -> memref<1x1x128xi32, #tpu.memory_space<vmem>>
      %dma_wait3A_224 = tpu.memref_squeeze %dma_wait3A_223 : memref<1x1x128xi32, #tpu.memory_space<vmem>> -> memref<128xi32, #tpu.memory_space<vmem>>
      %dma_wait3A_225 = arith.constant 0 : i32
      %dma_wait3A_226 = arith.constant 0 : i32
      %dma_wait3A_227 = tpu.memref_slice %arg4[%dma_wait3A_225, %dma_wait3A_226] : memref<1000000x64xf32, #tpu.memory_space<hbm>> -> memref<1000000x64xf32, #tpu.memory_space<hbm>>
      tpu.wait_indirect_dma semaphore(%arg13 : memref<!tpu.dma_semaphore, #tpu.memory_space<semaphore_mem>>) src(%dma_wait3A_227 : memref<1000000x64xf32, #tpu.memory_space<hbm>>) dst(%dma_wait3A_221 : memref<128x64xf32, #tpu.memory_space<vmem>>)
      %dma_wait3A_228 = arith.constant 0 : i32
      %dma_wait3A_229 = arith.constant 0 : i32
      %dma_wait3A_230 = arith.constant 1 : i32
      %dma_wait3A_231 = arith.constant 0 : i32
      %dma_wait3A_232 = arith.constant 0 : i32
      %dma_wait3A_233 = tpu.memref_slice %arg9[%dma_wait3A_230, %dma_wait3A_231, %dma_wait3A_232] : memref<2x128x64xf32, #tpu.memory_space<vmem>> -> memref<1x128x64xf32, #tpu.memory_space<vmem>>
      %dma_wait3A_234 = tpu.memref_squeeze %dma_wait3A_233 : memref<1x128x64xf32, #tpu.memory_space<vmem>> -> memref<128x64xf32, #tpu.memory_space<vmem>>
      %dma_wait3A_235 = arith.constant 0 : i32
      %dma_wait3A_236 = tpu.memref_slice %arg6[%dma_wait3A_228, %dma_wait3A_229, %dma_wait3A_235] : memref<25x8x128xi32, #tpu.memory_space<vmem>> -> memref<1x1x128xi32, #tpu.memory_space<vmem>>
      %dma_wait3A_237 = tpu.memref_squeeze %dma_wait3A_236 : memref<1x1x128xi32, #tpu.memory_space<vmem>> -> memref<128xi32, #tpu.memory_space<vmem>>
      %dma_wait3A_238 = arith.constant 0 : i32
      %dma_wait3A_239 = arith.constant 0 : i32
      %dma_wait3A_240 = tpu.memref_slice %arg4[%dma_wait3A_238, %dma_wait3A_239] : memref<1000000x64xf32, #tpu.memory_space<hbm>> -> memref<1000000x64xf32, #tpu.memory_space<hbm>>
      tpu.wait_indirect_dma semaphore(%arg13 : memref<!tpu.dma_semaphore, #tpu.memory_space<semaphore_mem>>) src(%dma_wait3A_240 : memref<1000000x64xf32, #tpu.memory_space<hbm>>) dst(%dma_wait3A_234 : memref<128x64xf32, #tpu.memory_space<vmem>>)
      %ge3A_241 = arith.constant 2 : i32
      %ge3A_242 = arith.cmpi sge, %add3A_208, %ge3A_241 : i32
      %convert_element_type3A_243 = arith.extui %ge3A_242 : i1 to i32
      %cond3A_244 = arith.constant 0 : i32
      %cond3A_245 = arith.cmpi ne, %convert_element_type3A_243, %cond3A_244 : i32
      scf.if %cond3A_245 {
        %dma_wait3A_313 = arith.constant 0 : i32
        %dma_wait3A_314 = arith.constant 0 : i32
        %dma_wait3A_315 = arith.constant 0 : i32
        %dma_wait3A_316 = arith.constant 0 : i32
        %dma_wait3A_317 = tpu.memref_slice %arg11[%dma_wait3A_315, %dma_wait3A_316] : memref<64x257xf32, #tpu.memory_space<vmem>> -> memref<64x256xf32, #tpu.memory_space<vmem>>
        %dma_wait3A_318 = arith.constant 0 : i32
        %dma_wait3A_319 = arith.constant 0 : i32
        %dma_wait3A_320 = tpu.memref_slice %arg5[%dma_wait3A_318, %dma_wait3A_313, %dma_wait3A_314, %dma_wait3A_319] : memref<64x25x32x1024xf32, #tpu.memory_space<hbm>> -> memref<64x1x1x256xf32, #tpu.memory_space<hbm>>
        %dma_wait3A_321 = tpu.memref_squeeze %dma_wait3A_320 : memref<64x1x1x256xf32, #tpu.memory_space<hbm>> -> memref<64x256xf32, #tpu.memory_space<hbm>>
        %dma_wait3A_322 = arith.constant 0 : i32
        %dma_wait3A_323 = arith.constant 0 : i32
        %dma_wait3A_324 = tpu.memref_slice %arg5[%dma_wait3A_322, %dma_wait3A_313, %dma_wait3A_314, %dma_wait3A_323] : memref<64x25x32x1024xf32, #tpu.memory_space<hbm>> -> memref<64x1x1x256xf32, #tpu.memory_space<hbm>>
        %dma_wait3A_325 = tpu.memref_squeeze %dma_wait3A_324 : memref<64x1x1x256xf32, #tpu.memory_space<hbm>> -> memref<64x256xf32, #tpu.memory_space<hbm>>
        %dma_wait3A_326 = arith.constant 0 : i32
        %dma_wait3A_327 = arith.constant 0 : i32
        %dma_wait3A_328 = tpu.memref_slice %arg11[%dma_wait3A_326, %dma_wait3A_327] : memref<64x257xf32, #tpu.memory_space<vmem>> -> memref<64x256xf32, #tpu.memory_space<vmem>>
        tpu.wait_dma2 semaphore(%arg15 : memref<!tpu.dma_semaphore, #tpu.memory_space<semaphore_mem>>) src(%dma_wait3A_328 : memref<64x256xf32, #tpu.memory_space<vmem>>) dst(%dma_wait3A_325 : memref<64x256xf32, #tpu.memory_space<hbm>>)
      } else {
      }
      %mul3A_246 = arith.constant 8 : i32
      %mul3A_247 = arith.muli %shift_right_logical3A_210, %mul3A_246 : i32
      %add3A_248 = arith.addi %mul3A_247, %mul3A_214 : i32
      %add3A_249 = arith.constant 0 : i32
      %add3A_250 = arith.addi %add3A_248, %add3A_249 : i32
      %get3A_251 = arith.index_cast %add3A_250 : i32 to index
      %get3A_252 = arith.constant 0 : index
      %get3A_253 = tpu.vector_load %arg7[%get3A_251, %get3A_252] {strides = array<i32>} : memref<200x64xf32, #tpu.memory_space<vmem>>, vector<16xf32>,
      %get3A_254 = arith.index_cast %add3A_250 : i32 to index
      %get3A_255 = arith.constant 16 : index
      %get3A_256 = tpu.vector_load %arg7[%get3A_254, %get3A_255] {strides = array<i32>} : memref<200x64xf32, #tpu.memory_space<vmem>>, vector<16xf32>,
      %get3A_257 = arith.index_cast %add3A_250 : i32 to index
      %get3A_258 = arith.constant 32 : index
      %get3A_259 = tpu.vector_load %arg7[%get3A_257, %get3A_258] {strides = array<i32>} : memref<200x64xf32, #tpu.memory_space<vmem>>, vector<16xf32>,
      %get3A_260 = arith.index_cast %add3A_250 : i32 to index
      %get3A_261 = arith.constant 48 : index
      %get3A_262 = tpu.vector_load %arg7[%get3A_260, %get3A_261] {strides = array<i32>} : memref<200x64xf32, #tpu.memory_space<vmem>>, vector<16xf32>,
      %parallel_loop3A_263 = arith.constant 0 : i32
      %parallel_loop3A_264 = arith.constant 128 : i32
      %parallel_loop3A_265 = arith.constant 1 : i32
      scf.for %parallel_loop3A_313 = %parallel_loop3A_263 to %parallel_loop3A_264 step %parallel_loop3A_265  : i32 {
        %parallel_loop3A_314 = arith.constant 0 : i32
        %parallel_loop3A_315 = vector.broadcast %parallel_loop3A_314 : i32 to vector<16xi32>
        %parallel_loop3A_316 = arith.constant 0 : i32
        %parallel_loop3A_317 = arith.addi %parallel_loop3A_316, %parallel_loop3A_313 : i32
        %parallel_loop3A_318 = vector.broadcast %parallel_loop3A_317 : i32 to vector<16xi32>
        %parallel_loop3A_319 = arith.addi %parallel_loop3A_315, %parallel_loop3A_318 : vector<16xi32>
        %parallel_loop3A_320 = arith.constant 0 : i32
        %parallel_loop3A_321 = arith.index_cast %parallel_loop3A_320 : i32 to index
        %parallel_loop3A_322 = arith.index_cast %parallel_loop3A_313 : i32 to index
        %parallel_loop3A_323 = arith.constant 0 : index
        %parallel_loop3A_324 = tpu.vector_load %arg9[%parallel_loop3A_321, %parallel_loop3A_322, %parallel_loop3A_323] {strides = array<i32>} : memref<2x128x64xf32, #tpu.memory_space<vmem>>, vector<16xf32>,
        %parallel_loop3A_325 = arith.constant 0 : i32
        %parallel_loop3A_326 = vector.broadcast %parallel_loop3A_325 : i32 to vector<16xi32>
        %parallel_loop3A_327 = arith.addi %parallel_loop3A_326, %iota3A : vector<16xi32>
        %parallel_loop3A_328 = arith.addf %parallel_loop3A_324, %get3A_253 : vector<16xf32>
        tpu.vector_store_idx %arg11[%parallel_loop3A_327, %parallel_loop3A_319], %parallel_loop3A_328 : memref<64x257xf32, #tpu.memory_space<vmem>>[vector<16xi32>, vector<16xi32>], vector<16xf32>,
        %parallel_loop3A_329 = arith.constant 0 : i32
        %parallel_loop3A_330 = arith.index_cast %parallel_loop3A_329 : i32 to index
        %parallel_loop3A_331 = arith.index_cast %parallel_loop3A_313 : i32 to index
        %parallel_loop3A_332 = arith.constant 16 : index
        %parallel_loop3A_333 = tpu.vector_load %arg9[%parallel_loop3A_330, %parallel_loop3A_331, %parallel_loop3A_332] {strides = array<i32>} : memref<2x128x64xf32, #tpu.memory_space<vmem>>, vector<16xf32>,
        %parallel_loop3A_334 = arith.constant 16 : i32
        %parallel_loop3A_335 = vector.broadcast %parallel_loop3A_334 : i32 to vector<16xi32>
        %parallel_loop3A_336 = arith.addi %parallel_loop3A_335, %iota3A : vector<16xi32>
        %parallel_loop3A_337 = arith.addf %parallel_loop3A_333, %get3A_256 : vector<16xf32>
        tpu.vector_store_idx %arg11[%parallel_loop3A_336, %parallel_loop3A_319], %parallel_loop3A_337 : memref<64x257xf32, #tpu.memory_space<vmem>>[vector<16xi32>, vector<16xi32>], vector<16xf32>,
        %parallel_loop3A_338 = arith.constant 0 : i32
        %parallel_loop3A_339 = arith.index_cast %parallel_loop3A_338 : i32 to index
        %parallel_loop3A_340 = arith.index_cast %parallel_loop3A_313 : i32 to index
        %parallel_loop3A_341 = arith.constant 32 : index
        %parallel_loop3A_342 = tpu.vector_load %arg9[%parallel_loop3A_339, %parallel_loop3A_340, %parallel_loop3A_341] {strides = array<i32>} : memref<2x128x64xf32, #tpu.memory_space<vmem>>, vector<16xf32>,
        %parallel_loop3A_343 = arith.constant 32 : i32
        %parallel_loop3A_344 = vector.broadcast %parallel_loop3A_343 : i32 to vector<16xi32>
        %parallel_loop3A_345 = arith.addi %parallel_loop3A_344, %iota3A : vector<16xi32>
        %parallel_loop3A_346 = arith.addf %parallel_loop3A_342, %get3A_259 : vector<16xf32>
        tpu.vector_store_idx %arg11[%parallel_loop3A_345, %parallel_loop3A_319], %parallel_loop3A_346 : memref<64x257xf32, #tpu.memory_space<vmem>>[vector<16xi32>, vector<16xi32>], vector<16xf32>,
        %parallel_loop3A_347 = arith.constant 0 : i32
        %parallel_loop3A_348 = arith.index_cast %parallel_loop3A_347 : i32 to index
        %parallel_loop3A_349 = arith.index_cast %parallel_loop3A_313 : i32 to index
        %parallel_loop3A_350 = arith.constant 48 : index
        %parallel_loop3A_351 = tpu.vector_load %arg9[%parallel_loop3A_348, %parallel_loop3A_349, %parallel_loop3A_350] {strides = array<i32>} : memref<2x128x64xf32, #tpu.memory_space<vmem>>, vector<16xf32>,
        %parallel_loop3A_352 = arith.constant 48 : i32
        %parallel_loop3A_353 = vector.broadcast %parallel_loop3A_352 : i32 to vector<16xi32>
        %parallel_loop3A_354 = arith.addi %parallel_loop3A_353, %iota3A : vector<16xi32>
        %parallel_loop3A_355 = arith.addf %parallel_loop3A_351, %get3A_262 : vector<16xf32>
        tpu.vector_store_idx %arg11[%parallel_loop3A_354, %parallel_loop3A_319], %parallel_loop3A_355 : memref<64x257xf32, #tpu.memory_space<vmem>>[vector<16xi32>, vector<16xi32>], vector<16xf32>,
      } {sc.loop_unroll_factor = 8 : i64, sc.parallel_access}
      %mul3A_266 = arith.constant 8 : i32
      %mul3A_267 = arith.muli %shift_right_logical3A_210, %mul3A_266 : i32
      %add3A_268 = arith.addi %mul3A_267, %mul3A_214 : i32
      %add3A_269 = arith.constant 1 : i32
      %add3A_270 = arith.addi %add3A_268, %add3A_269 : i32
      %get3A_271 = arith.index_cast %add3A_270 : i32 to index
      %get3A_272 = arith.constant 0 : index
      %get3A_273 = tpu.vector_load %arg7[%get3A_271, %get3A_272] {strides = array<i32>} : memref<200x64xf32, #tpu.memory_space<vmem>>, vector<16xf32>,
      %get3A_274 = arith.index_cast %add3A_270 : i32 to index
      %get3A_275 = arith.constant 16 : index
      %get3A_276 = tpu.vector_load %arg7[%get3A_274, %get3A_275] {strides = array<i32>} : memref<200x64xf32, #tpu.memory_space<vmem>>, vector<16xf32>,
      %get3A_277 = arith.index_cast %add3A_270 : i32 to index
      %get3A_278 = arith.constant 32 : index
      %get3A_279 = tpu.vector_load %arg7[%get3A_277, %get3A_278] {strides = array<i32>} : memref<200x64xf32, #tpu.memory_space<vmem>>, vector<16xf32>,
      %get3A_280 = arith.index_cast %add3A_270 : i32 to index
      %get3A_281 = arith.constant 48 : index
      %get3A_282 = tpu.vector_load %arg7[%get3A_280, %get3A_281] {strides = array<i32>} : memref<200x64xf32, #tpu.memory_space<vmem>>, vector<16xf32>,
      %parallel_loop3A_283 = arith.constant 0 : i32
      %parallel_loop3A_284 = arith.constant 128 : i32
      %parallel_loop3A_285 = arith.constant 1 : i32
      scf.for %parallel_loop3A_313 = %parallel_loop3A_283 to %parallel_loop3A_284 step %parallel_loop3A_285  : i32 {
        %parallel_loop3A_314 = arith.constant 0 : i32
        %parallel_loop3A_315 = vector.broadcast %parallel_loop3A_314 : i32 to vector<16xi32>
        %parallel_loop3A_316 = arith.constant 128 : i32
        %parallel_loop3A_317 = arith.addi %parallel_loop3A_316, %parallel_loop3A_313 : i32
        %parallel_loop3A_318 = vector.broadcast %parallel_loop3A_317 : i32 to vector<16xi32>
        %parallel_loop3A_319 = arith.addi %parallel_loop3A_315, %parallel_loop3A_318 : vector<16xi32>
        %parallel_loop3A_320 = arith.constant 1 : i32
        %parallel_loop3A_321 = arith.index_cast %parallel_loop3A_320 : i32 to index
        %parallel_loop3A_322 = arith.index_cast %parallel_loop3A_313 : i32 to index
        %parallel_loop3A_323 = arith.constant 0 : index
        %parallel_loop3A_324 = tpu.vector_load %arg9[%parallel_loop3A_321, %parallel_loop3A_322, %parallel_loop3A_323] {strides = array<i32>} : memref<2x128x64xf32, #tpu.memory_space<vmem>>, vector<16xf32>,
        %parallel_loop3A_325 = arith.constant 0 : i32
        %parallel_loop3A_326 = vector.broadcast %parallel_loop3A_325 : i32 to vector<16xi32>
        %parallel_loop3A_327 = arith.addi %parallel_loop3A_326, %iota3A : vector<16xi32>
        %parallel_loop3A_328 = arith.addf %parallel_loop3A_324, %get3A_273 : vector<16xf32>
        tpu.vector_store_idx %arg11[%parallel_loop3A_327, %parallel_loop3A_319], %parallel_loop3A_328 : memref<64x257xf32, #tpu.memory_space<vmem>>[vector<16xi32>, vector<16xi32>], vector<16xf32>,
        %parallel_loop3A_329 = arith.constant 1 : i32
        %parallel_loop3A_330 = arith.index_cast %parallel_loop3A_329 : i32 to index
        %parallel_loop3A_331 = arith.index_cast %parallel_loop3A_313 : i32 to index
        %parallel_loop3A_332 = arith.constant 16 : index
        %parallel_loop3A_333 = tpu.vector_load %arg9[%parallel_loop3A_330, %parallel_loop3A_331, %parallel_loop3A_332] {strides = array<i32>} : memref<2x128x64xf32, #tpu.memory_space<vmem>>, vector<16xf32>,
        %parallel_loop3A_334 = arith.constant 16 : i32
        %parallel_loop3A_335 = vector.broadcast %parallel_loop3A_334 : i32 to vector<16xi32>
        %parallel_loop3A_336 = arith.addi %parallel_loop3A_335, %iota3A : vector<16xi32>
        %parallel_loop3A_337 = arith.addf %parallel_loop3A_333, %get3A_276 : vector<16xf32>
        tpu.vector_store_idx %arg11[%parallel_loop3A_336, %parallel_loop3A_319], %parallel_loop3A_337 : memref<64x257xf32, #tpu.memory_space<vmem>>[vector<16xi32>, vector<16xi32>], vector<16xf32>,
        %parallel_loop3A_338 = arith.constant 1 : i32
        %parallel_loop3A_339 = arith.index_cast %parallel_loop3A_338 : i32 to index
        %parallel_loop3A_340 = arith.index_cast %parallel_loop3A_313 : i32 to index
        %parallel_loop3A_341 = arith.constant 32 : index
        %parallel_loop3A_342 = tpu.vector_load %arg9[%parallel_loop3A_339, %parallel_loop3A_340, %parallel_loop3A_341] {strides = array<i32>} : memref<2x128x64xf32, #tpu.memory_space<vmem>>, vector<16xf32>,
        %parallel_loop3A_343 = arith.constant 32 : i32
        %parallel_loop3A_344 = vector.broadcast %parallel_loop3A_343 : i32 to vector<16xi32>
        %parallel_loop3A_345 = arith.addi %parallel_loop3A_344, %iota3A : vector<16xi32>
        %parallel_loop3A_346 = arith.addf %parallel_loop3A_342, %get3A_279 : vector<16xf32>
        tpu.vector_store_idx %arg11[%parallel_loop3A_345, %parallel_loop3A_319], %parallel_loop3A_346 : memref<64x257xf32, #tpu.memory_space<vmem>>[vector<16xi32>, vector<16xi32>], vector<16xf32>,
        %parallel_loop3A_347 = arith.constant 1 : i32
        %parallel_loop3A_348 = arith.index_cast %parallel_loop3A_347 : i32 to index
        %parallel_loop3A_349 = arith.index_cast %parallel_loop3A_313 : i32 to index
        %parallel_loop3A_350 = arith.constant 48 : index
        %parallel_loop3A_351 = tpu.vector_load %arg9[%parallel_loop3A_348, %parallel_loop3A_349, %parallel_loop3A_350] {strides = array<i32>} : memref<2x128x64xf32, #tpu.memory_space<vmem>>, vector<16xf32>,
        %parallel_loop3A_352 = arith.constant 48 : i32
        %parallel_loop3A_353 = vector.broadcast %parallel_loop3A_352 : i32 to vector<16xi32>
        %parallel_loop3A_354 = arith.addi %parallel_loop3A_353, %iota3A : vector<16xi32>
        %parallel_loop3A_355 = arith.addf %parallel_loop3A_351, %get3A_282 : vector<16xf32>
        tpu.vector_store_idx %arg11[%parallel_loop3A_354, %parallel_loop3A_319], %parallel_loop3A_355 : memref<64x257xf32, #tpu.memory_space<vmem>>[vector<16xi32>, vector<16xi32>], vector<16xf32>,
      } {sc.loop_unroll_factor = 8 : i64, sc.parallel_access}
      %shift_right_logical3A_286 = arith.constant 2 : i32
      %shift_right_logical3A_287 = arith.shrui %add3A_208, %shift_right_logical3A_286 : i32
      %rem3A_288 = arith.constant 4 : i32
      %rem3A_289 = arith.remsi %add3A_208, %rem3A_288 : i32
      %mul3A_290 = arith.constant 2 : i32
      %mul3A_291 = arith.muli %rem3A_289, %mul3A_290 : i32
      %mul3A_292 = arith.constant 128 : i32
      %mul3A_293 = arith.muli %mul3A_291, %mul3A_292 : i32
      %dma_start3A_294 = arith.constant 0 : i32
      %dma_start3A_295 = arith.constant 0 : i32
      %dma_start3A_296 = tpu.memref_slice %arg11[%dma_start3A_294, %dma_start3A_295] : memref<64x257xf32, #tpu.memory_space<vmem>> -> memref<64x256xf32, #tpu.memory_space<vmem>>
      %dma_start3A_297 = arith.constant 0 : i32
      %dma_start3A_298 = tpu.memref_slice %arg5[%dma_start3A_297, %shift_right_logical3A_287, %add3A, %mul3A_293] : memref<64x25x32x1024xf32, #tpu.memory_space<hbm>> -> memref<64x1x1x256xf32, #tpu.memory_space<hbm>>
      %dma_start3A_299 = tpu.memref_squeeze %dma_start3A_298 : memref<64x1x1x256xf32, #tpu.memory_space<hbm>> -> memref<64x256xf32, #tpu.memory_space<hbm>>
      %dma_start3A_300 = arith.constant 0 : i32
      %dma_start3A_301 = tpu.memref_slice %arg5[%dma_start3A_300, %shift_right_logical3A_287, %add3A, %mul3A_293] : memref<64x25x32x1024xf32, #tpu.memory_space<hbm>> -> memref<64x1x1x256xf32, #tpu.memory_space<hbm>>
      %dma_start3A_302 = tpu.memref_squeeze %dma_start3A_301 : memref<64x1x1x256xf32, #tpu.memory_space<hbm>> -> memref<64x256xf32, #tpu.memory_space<hbm>>
      %dma_start3A_303 = arith.constant 0 : i32
      %dma_start3A_304 = arith.constant 0 : i32
      %dma_start3A_305 = tpu.memref_slice %arg11[%dma_start3A_303, %dma_start3A_304] : memref<64x257xf32, #tpu.memory_space<vmem>> -> memref<64x256xf32, #tpu.memory_space<vmem>>
      tpu.enqueue_dma source(%dma_start3A_305 : memref<64x256xf32, #tpu.memory_space<vmem>>) target(%dma_start3A_302 : memref<64x256xf32, #tpu.memory_space<hbm>>) target_semaphore(%arg15 : memref<!tpu.dma_semaphore, #tpu.memory_space<semaphore_mem>>)
      %add3A_306 = arith.constant 2 : i32
      %add3A_307 = arith.addi %add3A_208, %add3A_306 : i32
      %lt3A_308 = arith.constant 100 : i32
      %lt3A_309 = arith.cmpi slt, %add3A_307, %lt3A_308 : i32
      %convert_element_type3A_310 = arith.extui %lt3A_309 : i1 to i32
      %cond3A_311 = arith.constant 0 : i32
      %cond3A_312 = arith.cmpi ne, %convert_element_type3A_310, %cond3A_311 : i32
      scf.if %cond3A_312 {
        %add3A_313 = arith.constant 2 : i32
        %add3A_314 = arith.addi %add3A_208, %add3A_313 : i32
        %shift_right_logical3A_315 = arith.constant 2 : i32
        %shift_right_logical3A_316 = arith.shrui %add3A_314, %shift_right_logical3A_315 : i32
        %rem3A_317 = arith.constant 4 : i32
        %rem3A_318 = arith.remsi %add3A_314, %rem3A_317 : i32
        %mul3A_319 = arith.constant 2 : i32
        %mul3A_320 = arith.muli %rem3A_318, %mul3A_319 : i32
        %add3A_321 = arith.constant 0 : i32
        %add3A_322 = arith.addi %mul3A_320, %add3A_321 : i32
        %dma_start3A_323 = arith.constant 0 : i32
        %dma_start3A_324 = arith.constant 0 : i32
        %dma_start3A_325 = arith.constant 0 : i32
        %dma_start3A_326 = tpu.memref_slice %arg9[%dma_start3A_323, %dma_start3A_324, %dma_start3A_325] : memref<2x128x64xf32, #tpu.memory_space<vmem>> -> memref<1x128x64xf32, #tpu.memory_space<vmem>>
        %dma_start3A_327 = tpu.memref_squeeze %dma_start3A_326 : memref<1x128x64xf32, #tpu.memory_space<vmem>> -> memref<128x64xf32, #tpu.memory_space<vmem>>
        %dma_start3A_328 = arith.constant 0 : i32
        %dma_start3A_329 = tpu.memref_slice %arg6[%shift_right_logical3A_316, %add3A_322, %dma_start3A_328] : memref<25x8x128xi32, #tpu.memory_space<vmem>> -> memref<1x1x128xi32, #tpu.memory_space<vmem>>
        %dma_start3A_330 = tpu.memref_squeeze %dma_start3A_329 : memref<1x1x128xi32, #tpu.memory_space<vmem>> -> memref<128xi32, #tpu.memory_space<vmem>>
        %dma_start3A_331 = arith.constant 0 : i32
        %dma_start3A_332 = arith.constant 0 : i32
        %dma_start3A_333 = tpu.memref_slice %arg4[%dma_start3A_331, %dma_start3A_332] : memref<1000000x64xf32, #tpu.memory_space<hbm>> -> memref<1000000x64xf32, #tpu.memory_space<hbm>>
        tpu.enqueue_indirect_dma source(%dma_start3A_333 : memref<1000000x64xf32, #tpu.memory_space<hbm>>) target(%dma_start3A_327 : memref<128x64xf32, #tpu.memory_space<vmem>>) offsets(%dma_start3A_330 : memref<128xi32, #tpu.memory_space<vmem>>) semaphore(%arg13 : memref<!tpu.dma_semaphore, #tpu.memory_space<semaphore_mem>>)
        %add3A_334 = arith.constant 1 : i32
        %add3A_335 = arith.addi %mul3A_320, %add3A_334 : i32
        %dma_start3A_336 = arith.constant 1 : i32
        %dma_start3A_337 = arith.constant 0 : i32
        %dma_start3A_338 = arith.constant 0 : i32
        %dma_start3A_339 = tpu.memref_slice %arg9[%dma_start3A_336, %dma_start3A_337, %dma_start3A_338] : memref<2x128x64xf32, #tpu.memory_space<vmem>> -> memref<1x128x64xf32, #tpu.memory_space<vmem>>
        %dma_start3A_340 = tpu.memref_squeeze %dma_start3A_339 : memref<1x128x64xf32, #tpu.memory_space<vmem>> -> memref<128x64xf32, #tpu.memory_space<vmem>>
        %dma_start3A_341 = arith.constant 0 : i32
        %dma_start3A_342 = tpu.memref_slice %arg6[%shift_right_logical3A_316, %add3A_335, %dma_start3A_341] : memref<25x8x128xi32, #tpu.memory_space<vmem>> -> memref<1x1x128xi32, #tpu.memory_space<vmem>>
        %dma_start3A_343 = tpu.memref_squeeze %dma_start3A_342 : memref<1x1x128xi32, #tpu.memory_space<vmem>> -> memref<128xi32, #tpu.memory_space<vmem>>
        %dma_start3A_344 = arith.constant 0 : i32
        %dma_start3A_345 = arith.constant 0 : i32
        %dma_start3A_346 = tpu.memref_slice %arg4[%dma_start3A_344, %dma_start3A_345] : memref<1000000x64xf32, #tpu.memory_space<hbm>> -> memref<1000000x64xf32, #tpu.memory_space<hbm>>
        tpu.enqueue_indirect_dma source(%dma_start3A_346 : memref<1000000x64xf32, #tpu.memory_space<hbm>>) target(%dma_start3A_340 : memref<128x64xf32, #tpu.memory_space<vmem>>) offsets(%dma_start3A_343 : memref<128xi32, #tpu.memory_space<vmem>>) semaphore(%arg13 : memref<!tpu.dma_semaphore, #tpu.memory_space<semaphore_mem>>)
      } else {
      }
    }
    %scan3A_70 = arith.constant 50 : i32
    %dma_wait3A = arith.constant 0 : i32
    %dma_wait3A_71 = arith.constant 0 : i32
    %dma_wait3A_72 = arith.constant 0 : i32
    %dma_wait3A_73 = arith.constant 0 : i32
    %dma_wait3A_74 = tpu.memref_slice %arg10[%dma_wait3A_72, %dma_wait3A_73] : memref<64x257xf32, #tpu.memory_space<vmem>> -> memref<64x256xf32, #tpu.memory_space<vmem>>
    %dma_wait3A_75 = arith.constant 0 : i32
    %dma_wait3A_76 = arith.constant 0 : i32
    %dma_wait3A_77 = tpu.memref_slice %arg5[%dma_wait3A_75, %dma_wait3A, %dma_wait3A_71, %dma_wait3A_76] : memref<64x25x32x1024xf32, #tpu.memory_space<hbm>> -> memref<64x1x1x256xf32, #tpu.memory_space<hbm>>
    %dma_wait3A_78 = tpu.memref_squeeze %dma_wait3A_77 : memref<64x1x1x256xf32, #tpu.memory_space<hbm>> -> memref<64x256xf32, #tpu.memory_space<hbm>>
    %dma_wait3A_79 = arith.constant 0 : i32
    %dma_wait3A_80 = arith.constant 0 : i32
    %dma_wait3A_81 = tpu.memref_slice %arg5[%dma_wait3A_79, %dma_wait3A, %dma_wait3A_71, %dma_wait3A_80] : memref<64x25x32x1024xf32, #tpu.memory_space<hbm>> -> memref<64x1x1x256xf32, #tpu.memory_space<hbm>>
    %dma_wait3A_82 = tpu.memref_squeeze %dma_wait3A_81 : memref<64x1x1x256xf32, #tpu.memory_space<hbm>> -> memref<64x256xf32, #tpu.memory_space<hbm>>
    %dma_wait3A_83 = arith.constant 0 : i32
    %dma_wait3A_84 = arith.constant 0 : i32
    %dma_wait3A_85 = tpu.memref_slice %arg10[%dma_wait3A_83, %dma_wait3A_84] : memref<64x257xf32, #tpu.memory_space<vmem>> -> memref<64x256xf32, #tpu.memory_space<vmem>>
    tpu.wait_dma2 semaphore(%arg14 : memref<!tpu.dma_semaphore, #tpu.memory_space<semaphore_mem>>) src(%dma_wait3A_85 : memref<64x256xf32, #tpu.memory_space<vmem>>) dst(%dma_wait3A_82 : memref<64x256xf32, #tpu.memory_space<hbm>>)
    %dma_wait3A_86 = arith.constant 0 : i32
    %dma_wait3A_87 = arith.constant 0 : i32
    %dma_wait3A_88 = arith.constant 0 : i32
    %dma_wait3A_89 = arith.constant 0 : i32
    %dma_wait3A_90 = tpu.memref_slice %arg11[%dma_wait3A_88, %dma_wait3A_89] : memref<64x257xf32, #tpu.memory_space<vmem>> -> memref<64x256xf32, #tpu.memory_space<vmem>>
    %dma_wait3A_91 = arith.constant 0 : i32
    %dma_wait3A_92 = arith.constant 0 : i32
    %dma_wait3A_93 = tpu.memref_slice %arg5[%dma_wait3A_91, %dma_wait3A_86, %dma_wait3A_87, %dma_wait3A_92] : memref<64x25x32x1024xf32, #tpu.memory_space<hbm>> -> memref<64x1x1x256xf32, #tpu.memory_space<hbm>>
    %dma_wait3A_94 = tpu.memref_squeeze %dma_wait3A_93 : memref<64x1x1x256xf32, #tpu.memory_space<hbm>> -> memref<64x256xf32, #tpu.memory_space<hbm>>
    %dma_wait3A_95 = arith.constant 0 : i32
    %dma_wait3A_96 = arith.constant 0 : i32
    %dma_wait3A_97 = tpu.memref_slice %arg5[%dma_wait3A_95, %dma_wait3A_86, %dma_wait3A_87, %dma_wait3A_96] : memref<64x25x32x1024xf32, #tpu.memory_space<hbm>> -> memref<64x1x1x256xf32, #tpu.memory_space<hbm>>
    %dma_wait3A_98 = tpu.memref_squeeze %dma_wait3A_97 : memref<64x1x1x256xf32, #tpu.memory_space<hbm>> -> memref<64x256xf32, #tpu.memory_space<hbm>>
    %dma_wait3A_99 = arith.constant 0 : i32
    %dma_wait3A_100 = arith.constant 0 : i32
    %dma_wait3A_101 = tpu.memref_slice %arg11[%dma_wait3A_99, %dma_wait3A_100] : memref<64x257xf32, #tpu.memory_space<vmem>> -> memref<64x256xf32, #tpu.memory_space<vmem>>
    tpu.wait_dma2 semaphore(%arg15 : memref<!tpu.dma_semaphore, #tpu.memory_space<semaphore_mem>>) src(%dma_wait3A_101 : memref<64x256xf32, #tpu.memory_space<vmem>>) dst(%dma_wait3A_98 : memref<64x256xf32, #tpu.memory_space<hbm>>)
    return
  }
}

</mosaic_0001>

<sc_bundles>
// kernel: kernel.3.cloned.1.call-start
scs
__scs_entry_jumppad:
0x0: {  	(pc) =	sbr.rel $0x88, $3  }
0x1: {  	(tag) =	ssettag $0x0;
	lr =	simm.s32 $0x1  }
0x2: {  	[smem:$0x3F9E] =	sst lr;
	_ =	strace $0xD0000000  }
0x3: {  	_ = 	snop  }
0x4: {  	_ = 	snop  }
0x5: {  	_ = 	snop  }
0x6: {  	_ = 	snop  }
0x7: {  	_ = 	snop  }
__scs_overlays_trampoline_lowered:
0x8: {  	[smem:$0x3FAD] =	sst s0  }
0x9: {  	[smem:$0x3FAE] =	sst s1  }
0xa: {  	[smem:$0x3FAF] =	sst s2  }
0xb: {  	[smem:$0x3FB0] =	sst s3  }
0xc: {  	[smem:$0x3FB1] =	sst s4  }
0xd: {  	[smem:$0x3FB2] =	sst s5  }
0xe: {  	[smem:$0x3FB3] =	sst s6  }
0xf: {  	[smem:$0x3FB4] =	sst s7  }
0x10: {  	[smem:$0x3FB5] =	sst s8  }
0x11: {  	[smem:$0x3FB6] =	sst s9;
	s0 =	simm.s32 @!p0 $0x0  }
0x12: {  	s1 =	sld [smem:$0x3F9C];
	s0 =	simm.s32 @p0 $0x1  }
0x13: {  	[smem:$0x3FB7] =	sst s0;
	s0 =	simm.s32 @!p1 $0x0  }
0x14: {  	s2 =	sld [smem:$0x3F9B];
	s0 =	simm.s32 @p1 $0x1  }
0x15: {  	[smem:$0x3FB8] =	sst s0;
	s0 =	simm.s32 @!p2 $0x0  }
0x16: {  	s3 =	sld [smem:$0x3FDB];
	s0 =	simm.s32 @p2 $0x1  }
0x17: {  	s4 =	simm.s32 $0x1BF5;
	[smem:$0x3FBA] =	sst s0  }
0x18: {  	s0 =	sld [smem:$0x3F9D];
	_ =	swait.ge [sflag:s4], $0x0  }
0x19: {  	s7 =	sld [smem:$0x3F9E]  }
0x1a: {  	s8 =	sadd.s32 $0xFFFFE003, lr  }
0x1b: {  	s9 =	sadd.s32 $0xFFFFFEF7, lr;
	s5 =	simm.s32 $0xFFFFFFFF;
	p2 =	slt.u32 s8, $0xFFFFF086  }
0x1c: {  	p1 =	slt.u32 s9, $0xF7A;
	s5 =	simm.s32 @!p2 $0x0  }
0x1d: {  	s5 =	simm.s32 @p1 $0x1;
	p0 =	seq.s32 s7, s2  }
0x1e: {  	s7 =	smul.u32 @!p0 $0xF7A, s2;
	p2 =	seq.s32 @!p0 s5, $0x0  }
0x1f: {  	s9 =	smul.u32 $0xF7A, s1;
	s8 =	simm.s32 @!p0 $0x1BF5;
	p2 =	por !p2, p0  }
0x20: {  	[sflag:s8] =	ssyncset.s32 @!p0 $0xFFFFF086;
	s6 =	sadd.s32 @!p0 s3, s7;
	s7 =	simm.s32 @!p0 $0x108  }
0x21: {  	s3 =	sadd.s32 s3, s9;
	s6 =	sadd.s32 @!p0 $0x88, s6;
	s7 =	simm.s32 @p2 $0x1082  }
0x22: {  	[simem:s7], [sflag:s8] =	dma.local @!p0 [hbm:s6], $0xF7A  }
0x23: {  	s9 =	sor.u32 $0xD0000000, s2;
	s6 =	simm.s32 $0x108;
	_ =	swait.ge @!p0 [sflag:s8], $0x0  }
0x24: {  	s3 =	sadd.s32 $0x88, s3;
	s6 =	simm.s32 @!p1 $0x1082;
	[sflag:s4] =	ssyncset.s32 $0xFFFFF086  }
0x25: {  	[simem:s6], [sflag:s4] =	dma.local [hbm:s3], $0xF7A  }
0x26: {  	[smem:$0x3F9E] =	sst s1;
	(tag) =	ssettag s2;
	_ =	strace s9  }
0x27: {  	s1 =	sld [smem:$0x3FAE]  }
0x28: {  	s2 =	sld [smem:$0x3FAF]  }
0x29: {  	s4 =	sld [smem:$0x3FB1]  }
0x2a: {  	p0 =	seq.s32 s5, $0x0;
	s5 =	sld [smem:$0x3FB2]  }
0x2b: {  	s6 =	sld [smem:$0x3FB3]  }
0x2c: {  	s7 =	sld [smem:$0x3FB4]  }
0x2d: {  	s3 =	simm.s32 $0x108;
	s8 =	sld [smem:$0x3FB5]  }
0x2e: {  	s3 =	simm.s32 @!p0 $0x1082;
	s9 =	sld [smem:$0x3FB6]  }
0x2f: {  	lr =	sadd.s32 s0, s3;
	s0 =	sld [smem:$0x3FAD]  }
0x30: {  	s3 =	sld [smem:$0x3FB0]  }
0x31: {  	[smem:$0x3FB9] =	sst s10  }
0x32: {  	s10 =	sld [smem:$0x3FB7];
	_ =	sdelay $0x3  }
0x33: {  	p0 =	seq.s32 s10, $0x1;
	s10 =	sld [smem:$0x3FB9];
	_ =	sdelay $0x3  }
0x34: {  	[smem:$0x3FB9] =	sst s10  }
0x35: {  	s10 =	sld [smem:$0x3FB8];
	_ =	sdelay $0x3  }
0x36: {  	p1 =	seq.s32 s10, $0x1;
	s10 =	sld [smem:$0x3FB9];
	_ =	sdelay $0x3  }
0x37: {  	[smem:$0x3FB9] =	sst s10  }
0x38: {  	s10 =	sld [smem:$0x3FBA]  }
0x39: {  	_ = 	snop;
	(pc) =	sbr.ind lr, $3  }
0x3a: {  	_ = 	snop  }
0x3b: {  	_ = 	snop  }
0x3c: {  	p2 =	seq.s32 s10, $0x1;
	s10 =	sld [smem:$0x3FB9]  }
0x3d: {  	_ =	shalt  }
0x3e: {  	_ =	shalt  }
0x3f: {  	_ =	shalt  }
0x40: {  	_ =	shalt  }
0x41: {  	_ =	shalt  }
0x42: {  	_ =	shalt  }
0x43: {  	_ =	shalt  }
0x44: {  	_ =	shalt  }
0x45: {  	_ =	shalt  }
0x46: {  	_ =	shalt  }
0x47: {  	_ =	shalt  }
0x48: {  	_ =	shalt  }
0x49: {  	_ =	shalt  }
0x4a: {  	_ =	shalt  }
0x4b: {  	_ =	shalt  }
0x4c: {  	_ =	shalt  }
0x4d: {  	_ =	shalt  }
0x4e: {  	_ =	shalt  }
0x4f: {  	_ =	shalt  }
0x50: {  	_ =	shalt  }
0x51: {  	_ =	shalt  }
0x52: {  	_ =	shalt  }
0x53: {  	_ =	shalt  }
0x54: {  	_ =	shalt  }
0x55: {  	_ =	shalt  }
0x56: {  	_ =	shalt  }
0x57: {  	_ =	shalt  }
0x58: {  	_ =	shalt  }
0x59: {  	_ =	shalt  }
0x5a: {  	_ =	shalt  }
0x5b: {  	_ =	shalt  }
0x5c: {  	_ =	shalt  }
0x5d: {  	_ =	shalt  }
0x5e: {  	_ =	shalt  }
0x5f: {  	_ =	shalt  }
0x60: {  	_ =	shalt  }
0x61: {  	_ =	shalt  }
0x62: {  	_ =	shalt  }
0x63: {  	_ =	shalt  }
0x64: {  	_ =	shalt  }
0x65: {  	_ =	shalt  }
0x66: {  	_ =	shalt  }
0x67: {  	_ =	shalt  }
0x68: {  	_ =	shalt  }
0x69: {  	_ =	shalt  }
0x6a: {  	_ =	shalt  }
0x6b: {  	_ =	shalt  }
0x6c: {  	_ =	shalt  }
0x6d: {  	_ =	shalt  }
0x6e: {  	_ =	shalt  }
0x6f: {  	_ =	shalt  }
0x70: {  	_ =	shalt  }
0x71: {  	_ =	shalt  }
0x72: {  	_ =	shalt  }
0x73: {  	_ =	shalt  }
0x74: {  	_ =	shalt  }
0x75: {  	_ =	shalt  }
0x76: {  	_ =	shalt  }
0x77: {  	_ =	shalt  }
0x78: {  	_ =	shalt  }
0x79: {  	_ =	shalt  }
0x7a: {  	_ =	shalt  }
0x7b: {  	_ =	shalt  }
0x7c: {  	_ =	shalt  }
0x7d: {  	_ =	shalt  }
0x7e: {  	_ =	shalt  }
0x7f: {  	_ =	shalt  }
0x80: {  	_ =	shalt  }
0x81: {  	_ =	shalt  }
0x82: {  	_ =	shalt  }
0x83: {  	_ =	shalt  }
0x84: {  	_ =	shalt  }
0x85: {  	_ =	shalt  }
0x86: {  	_ =	shalt  }
0x87: {  	_ =	shalt  }
.Lfunc_end0:
.L_simem_size_0:
called_computation_lowered:
.L_overlay_start_0:
0x88: {  	s2 =	sld [smem:$0x3FD9]  }
0x89: {  	s3 =	sld [smem:$0x3FFE];
	_ =	sdelay $0x1  }
0x8a: {  	s1 =	srdreg.scid  }
0x8b: {  	s0 =	sand.u32 $0x1, s1  }
0x8c: {  	s17 =	sshll.u32 s0, $0xA;
	s2 =	sadd.s32 s3, s2  }
0x8d: {  	s2 =	sadd.s32 s2, s17  }
0x8e: {  	[smem:$0x3FC5] =	sst s2  }
0x8f: {  	_ = 	snop  }
0x90: {  	s2 =	sld [smem:$0x3FC9]  }
0x91: {  	s18 =	sld [smem:$0x3FD0];
	(tm) =	ssettm $0x1  }
0x92: {  	s4 =	sld [smem:$0x3FFB];
	_ =	sdelay $0x3  }
0x93: {  	_ =	strace s4  }
0x94: {  	s4 =	sld [smem:$0x3FFC];
	_ =	sdelay $0x3  }
0x95: {  	_ =	strace s4  }
0x96: {  	s4 =	sld [smem:$0x3FFD];
	_ =	sdelay $0x3  }
0x97: {  	_ =	strace s4  }
0x98: {  	_ =	strace $0x8FFFFFFF  }
0x99: {  	s19 =	sld [smem:$0x3FDB];
	_ =	sdelay $0x1  }
0x9a: {  	s5 =	simm.s32 $_scs_section_size  }
0x9b: {  	s6 =	simm.s32 $_size__tile_overlayer_lowered;
	s7 =	simm.s32 $_tile_overlayer_lowered  }
0x9c: {  	s22 =	simm.s32 $0x1BFF;
	s21 =	sshll.u32 s7, $0x1;
	s4 =	sadd.s32 s5, s19  }
0x9d: {  	s8 =	simm.s32 $0x0;
	s20 =	sshll.u32 s6, $0x1;
	s6 =	sadd.s32 s21, s4  }
0x9e: {  	[timem:s8], [sflag:s22] =	dma.local [hbm:s6], s20  }
0x9f: {  	_ =	swait.ge [sflag:s22], s20  }
0xa0: {  	s5 =	ssub.s32 $0x0, s20;
	[sflag:s22] =	ssyncset.done $0x0  }
0xa1: {  	[sflag:s22] =	ssyncadd.s32 s5;
	_ =	sdelay $0x1  }
0xa2: {  	s23 =	simm.s32 $0x1B8B  }
0xa3: {  	_ =	swait.ge [sflag:s23], $0x1  }
0xa4: {  	[sflag:s23] =	ssyncset.done $0x0  }
0xa5: {  	s25 =	simm.s32 $0x1B8E;
	s24 =	sld [smem:$0x3FFE];
	[sflag:s23] =	ssyncadd.s32 $0xFFFFFFFF  }
0xa6: {  	s26 =	simm.s32 $execute0_lowered;
	[smem:$0x3FD2] =	sst s25  }
0xa7: {  	s6 =	sshll.u32 s26, $0x1;
	_ =	strace $0x80000046;
	[dreg:$0x1] =	wrdreg $0xFFFFFFFF  }
0xa8: {  	s28 =	simm.s32 $_size_execute0_lowered;
	s4 =	sadd.s32 s4, s6;
	[dreg:$0x0] =	wrdreg $0x0  }
0xa9: {  	s6 =	sshll.u32 s28, $0x1;
	[dreg:$0x2] =	wrdreg s4  }
0xaa: {  	[dreg:$0x3] =	wrdreg s6  }
0xab: {  	[dreg:$0x4] =	wrdreg $0xC0  }
0xac: {  	_ =	task [dreg:s8], $0x5FFFF  }
0xad: {  	[dreg:$0x1] =	wrdreg $0xFFFFFFFF  }
0xae: {  	[dreg:$0x0] =	wrdreg $0x60  }
0xaf: {  	[dreg:$0x2] =	wrdreg s2  }
0xb0: {  	[dreg:$0x3] =	wrdreg s24  }
0xb1: {  	[dreg:$0x4] =	wrdreg s18  }
0xb2: {  	[dreg:$0x5] =	wrdreg $0x9  }
0xb3: {  	_ =	task.clear_ibuf [dreg:s8], $0x6FFFF;
	_ =	strace $0x90000046  }
0xb4: {  	s29 =	simm.s32 $0x9;
	_ =	strace $0x80000048  }
0xb5: {  	_ =	swait.ge [sflag:s29], $0x1  }
0xb6: {  	[sflag:s29] =	ssyncadd.s32 $0xFFFFFFFF  }
0xb7: {  	_ =	strace $0x90000048  }
0xb8: {  	_ =	sfence  }
0xb9: {  	s30 =	sld [smem:$0x0];
	_ =	sdelay $0x2  }
0xba: {  	s31 =	sshll.u32 s1, $0xD;
	s1 =	sshrl.u32 s1, $0x2  }
0xbb: {  	s3 =	sand.u32 $0x4000, s31;
	s1 =	sadd.s32 s1, s30  }
0xbc: {  	s0 =	sor.u32 s3, s0;
	s1 =	sshll.u32 s1, $0x11  }
0xbd: {  	s0 =	sor.u32 s1, s0  }
0xbe: {  	s0 =	sadd.s32 $0x8F2B, s0  }
0xbf: {  	[sflag:s0] =	ssyncadd.remote.s32 $0x1  }
0xc0: {  	_ =	sfence.sel $0xFFFF  }
0xc1: {  	[dreg:$0x0] =	wrdreg $0xFFFFFFFF;
	(pc) =	sbr.abs _section_cstart, $3  }
0xc2: {  	[dreg:$0x1] =	wrdreg $0xFFFFFFFF  }
0xc3: {  	_ =	task.clear_ibuf [dreg:s8], $0x2FFFF;
	_ =	strace $0x9FFFFFFF  }
0xc4: {  	(tm) =	ssettm $0x7FFFFFFF  }
0xc5: {  	_ =	shalt  }
tec
execute0_lowered:
.L_overlay_start_1:
0x0: {  	(tag) =	ssettag $0x1  }
0x1: {  	s0 =	rddreg [dreg:$0x0];
	v0 =	vlaneseq.u32  }
0x2: {  	s3 =	rddreg [dreg:$0x1];
	s2 =	simm.s32 $0x0;
	v25 =	vmul.u32 $0x108, v0  }
0x3: {  	[smem:$0x7FF] =	sst s2  }
0x4: {  	s1 =	rddreg [dreg:$0x2];
	_ =	strace $0x80000047;
	v32 =	vadd.s32 $0x3184, v25;
	[tilespmem:$0x1FFB0] =	vst v25  }
0x5: {  	v45 =	vadd.s32 $0x3185, v25;
	[tilespmem:$0x1FE20] =	vst v32  }
0x6: {  	v27 =	vadd.s32 $0x3186, v25;
	[tilespmem:$0x1FE30] =	vst v45  }
0x7: {  	v50 =	vadd.s32 $0x2107, v25;
	[tilespmem:$0x1FE40] =	vst v27  }
0x8: {  	v52 =	vadd.s32 $0x3187, v25;
	[tilespmem:$0x1FE50] =	vst v50  }
0x9: {  	v55 =	vadd.s32 $0x1080, v25;
	[tilespmem:$0x1FE60] =	vst v52  }
0xa: {  	v15 =	vadd.s32 $0x3180, v25;
	[tilespmem:$0x1FE70] =	vst v55  }
0xb: {  	v62 =	vadd.s32 $0x2101, v25;
	[tilespmem:$0x1FE80] =	vst v15  }
0xc: {  	v60 =	vadd.s32 $0x1081, v25;
	[tilespmem:$0x1FE90] =	vst v62  }
0xd: {  	v29 =	vadd.s32 $0x1086, v25;
	[tilespmem:$0x1FEA0] =	vst v60  }
0xe: {  	v30 =	vadd.s32 $0x3183, v25;
	[tilespmem:$0x1FEB0] =	vst v29  }
0xf: {  	v23 =	vor.u32 $0x2, v25;
	[tilespmem:$0x1FEC0] =	vst v30  }
0x10: {  	v58 =	vadd.s32 $0x2100, v25;
	[tilespmem:$0x1FED0] =	vst v23  }
0x11: {  	v48 =	vor.u32 $0x4, v25;
	[tilespmem:$0x1FEE0] =	vst v58  }
0x12: {  	v31 =	vadd.s32 $0x2106, v25;
	[tilespmem:$0x1FEF0] =	vst v48  }
0x13: {  	v51 =	vadd.s32 $0x2105, v25;
	[tilespmem:$0x1FF00] =	vst v31  }
0x14: {  	v54 =	vor.u32 $0x7, v25;
	[tilespmem:$0x1FF10] =	vst v51  }
0x15: {  	v59 =	vor.u32 $0x6, v25;
	[tilespmem:$0x1FF20] =	vst v54  }
0x16: {  	v61 =	vadd.s32 $0x1084, v25;
	[tilespmem:$0x1FF30] =	vst v59  }
0x17: {  	v19 =	vor.u32 $0x3, v25;
	[tilespmem:$0x1FF40] =	vst v61  }
0x18: {  	s4 =	srdreg.scid;
	v22 =	vadd.s32 $0x1082, v25;
	[tilespmem:$0x1FF50] =	vst v19  }
0x19: {  	s5 =	stileid.u32;
	s10 =	simm.s32 $0x5;
	s13 =	simm.s32 $0x80;
	v57 =	vadd.s32 $0x1085, v25;
	[tilespmem:$0x1FF60] =	vst v22  }
0x1a: {  	s17 =	simm.s32 $0xD600;
	s19 =	simm.s32 $0xF600;
	s20 =	simm.s32 $0x1;
	v63 =	vadd.s32 $0x1083, v25;
	[tilespmem:$0x1FF70] =	vst v57  }
0x1b: {  	s21 =	simm.s32 $0x11600;
	s22 =	simm.s32 $0x2;
	s23 =	simm.s32 $0x15800;
	v53 =	vadd.s32 $0x1087, v25;
	[tilespmem:$0x1FF80] =	vst v63  }
0x1c: {  	s24 =	simm.s32 $0x3;
	s4 =	sand.u32 $0x1, s4;
	s5 =	sshll.u32 s5, $0xB;
	v49 =	vadd.s32 $0x2104, v25;
	[tilespmem:$0x1FF90] =	vst v53  }
.Ltmp0:
0x1d: {  	s6 =	ssub.s32 $0x2, s4;
	s4 =	sshll.u32 s4, $0xA;
	v47 =	vor.u32 $0x5, v25;
	[tilespmem:$0x1FFA0] =	vst v49;
	(pc) =	sbr.rel .LBB2_1-.Ltmp0, $4  }
0x1e: {  	vm0 =	vcmask $0x300;
	s25 =	simm.s32 $0x4;
	s26 =	simm.s32 $0x0;
	v0 =	vimm.s32 $0x0;
	s4 =	sor.u32 s4, s5;
	v28 =	vadd.s32 $0x3181, v25;
	[tilespmem:$0x1FFC0] =	vst v47  }
0x1f: {  	s30 =	sadd.s32 $0x600, s3;
	v1 =	vsel vm0, $0x3, v0;
	v0 =	vor.u32 $0x1, v25;
	s7 =	sshrl.u32 s6, $0x1;
	s31 =	sshrl.u32 s4, $0x3;
	[tilespmem:$0x1FFD0] =	vst v28  }
0x20: {  	[dreg:$0x4] =	wrdreg s30;
	v21 =	vadd.s32 $0x2103, v25;
	s8 =	ssub.s32 s6, s7;
	[tilespmem:$0x1FFE0] =	vst v0;
	s0 =	sadd.s32 s0, s31  }
0x21: {  	v24 =	vadd.s32 $0x2102, v25;
	v26 =	vadd.s32 $0x3182, v25;
	s6 =	sadd.s32 $0xF42A00, s3;
	[tilespmem:$0x1FFF0] =	vst v21;
	s8 =	smax.u32 s8, $0x1;
	[dreg:$0x5] =	wrdreg s0  }
.LBB2_16:
0x22: {  	s26 =	sadd.s32 $0x1, s26  }
0x23: {  	_ =	swait.ge [sflag:s24], $0x4000;
	p0 =	sne.s32 s26, s8  }
.Ltmp1:
0x24: {  	[sflag:s24] =	ssyncset.done $0x0;
	(pc) =	sbr.rel @!p0 .LBB2_17-.Ltmp1, $4  }
0x25: {  	[sflag:s24] =	ssyncadd.s32 $0xFFFFC000  }
0x26: {  	_ =	swait.ge [sflag:s25], $0x4000  }
0x27: {  	[sflag:s25] =	ssyncset.done $0x0  }
0x28: {  	[sflag:s25] =	ssyncadd.s32 $0xFFFFC000  }
.LBB2_1:
0x29: {  	s0 =	rddreg [dreg:$0x4];
	s3 =	simm.s32 $0x6400  }
0x2a: {  	[tilespmem:s3], [sflag:$0x5] =	stream.linear.gather [hbm4b:s0+s2], $0x3200, $0x38;
	[tilespmem:$0x19A00] =	vst v63  }
0x2b: {  	_ =	swait.ge [sflag:s10], $0x3200  }
0x2c: {  	s16 =	simm.s32 $0x400;
	[sflag:s10] =	ssyncset.done $0x0  }
0x2d: {  	s5 =	simm.s32 $0x8000;
	s15 =	rddreg [dreg:$0x5];
	[sflag:s10] =	ssyncadd.s32 $0xFFFFCE00  }
0x2e: {  	[tilespmem:s2], [sflag:$0x5] =	stream.strided.gather [hbm4b:s15+s16], $0x6400, s5, s16, $0x38;
	[tilespmem:$0x19A00] =	vst v63  }
0x2f: {  	_ =	swait.ge [sflag:s10], $0x6400  }
0x30: {  	[sflag:s10] =	ssyncset.done $0x0  }
0x31: {  	s18 =	simm.s32 $0x9600;
	[sflag:s10] =	ssyncadd.s32 $0xFFFF9C00  }
0x32: {  	[tilespmem:s18], [sflag:$0x1] =	stream.indirect.gather [hbm4b:s6+s13], $0x40, s2, s13, $0xb8;
	[tilespmem:$0x19A00] =	vst v63  }
0x33: {  	s29 =	simm.s32 $0xB600  }
0x34: {  	[tilespmem:s29], [sflag:$0x1] =	stream.indirect.gather [hbm4b:s6+s13], $0x40, s13, s13, $0xb8;
	[tilespmem:$0x19A00] =	vst v63  }
0x35: {  	s30 =	simm.s32 $0x100  }
0x36: {  	[tilespmem:s17], [sflag:$0x2] =	stream.indirect.gather [hbm4b:s6+s13], $0x40, s30, s13, $0xb8;
	[tilespmem:$0x19A00] =	vst v63  }
0x37: {  	s31 =	simm.s32 $0x180;
	s28 =	simm.s32 $0x0  }
0x38: {  	v20 =	vmov v29;
	[tilespmem:s19], [sflag:$0x2] =	stream.indirect.gather [hbm4b:s6+s13], $0x40, s31, s13, $0xb8;
	[tilespmem:$0x19A00] =	vst v63  }
.LBB2_2:
0x39: {  	_ =	swait.ge [sflag:s20], $0x2000  }
0x3a: {  	[sflag:s20] =	ssyncset.done $0x0  }
0x3b: {  	p0 =	seq.s32 s28, $0x0;
	[sflag:s20] =	ssyncadd.s32 $0xFFFFE000  }
0x3c: {  	s29 =	sshll.u32 s28, $0x1;
	s31 =	sshrl.u32 s28, $0x1;
	_ =	swait.ge [sflag:s20], $0x2000  }
0x3d: {  	s11 =	simm.s32 $0x7;
	s18 =	simm.s32 $0x4;
	[sflag:s20] =	ssyncset.done $0x0  }
0x3e: {  	s5 =	simm.s32 $0x1;
	s0 =	simm.s32 @!p0 $0x3;
	[sflag:s20] =	ssyncadd.s32 $0xFFFFE000  }
0x3f: {  	s14 =	simm.s32 $0x2;
	s30 =	sand.u32 $0x2, s29;
	v5 =	vmov s5;
	_ =	swait.ge @!p0 [sflag:s0], $0x4000  }
0x40: {  	s3 =	sshll.u32 s31, $0xB;
	v2 =	vmov s11;
	v3 =	vmov s18;
	s11 =	simm.s32 $0x9700;
	v5 =	vshrl.u32 v5, $0x3;
	[sflag:s0] =	ssyncset.done @!p0 $0x0  }
0x41: {  	s9 =	sshll.u32 s30, $0x7;
	v3 =	vshrl.u32 v3, $0x3;
	v5 =	vshll.u32 v5, v1;
	[sflag:s0] =	ssyncadd.s32 @!p0 $0xFFFFC000;
	s0 =	sshrl.u32 s3, $0x2  }
0x42: {  	s7 =	simm.s32 $0x3;
	v6 =	vmov s14;
	v3 =	vshll.u32 v3, v1;
	v5 =	vbroadcast v5, $0x0;
	s9 =	sor.u32 s0, s9;
	v7 =	vld [tilespmem:s11+$0x0]  }
0x43: {  	v6 =	vshrl.u32 v6, $0x3;
	v44 =	vbroadcast v3, $0x0;
	v3 =	vmov s7;
	v36 =	vld [tilespmem:s9+$0x6400]  }
0x44: {  	v6 =	vshll.u32 v6, v1;
	v3 =	vshrl.u32 v3, $0x3;
	v11 =	vadd.s32 v28, v5;
	v8 =	vld [tilespmem:s11+$0xFFFFFF40]  }
0x45: {  	v27 =	vmovc v0;
	v37 =	vbroadcast v6, $0x0;
	v6 =	vadd.s32 v48, v44;
	v3 =	vshll.u32 v3, v1;
	v9 =	vld [tilespmem:s11+$0xFFFFFF80];
	[tilespmem:$0x1FDC0] =	vst v11  }
0x46: {  	s16 =	simm.s32 $0x0;
	v10 =	vadd.s32 v27, v5;
	v56 =	vbroadcast v3, $0x0;
	v11 =	vld [tilespmem:s11+$0xFFFFFFC0]  }
0x47: {  	v0 =	vmov s16;
	v12 =	vadd.s32 v23, v37;
	v35 =	vld [tilespmem:s9+$0x6410]  }
0x48: {  	s12 =	simm.s32 $0x5;
	v0 =	vshrl.u32 v0, $0x3;
	v15 =	vadd.s32 v19, v56;
	v34 =	vld [tilespmem:s9+$0x6420];
	v7 =	vadd.f32 v7, v36  }
0x49: {  	v4 =	vmov s12;
	v17 =	vshll.u32 v0, v1;
	v33 =	vld [tilespmem:s9+$0x6430];
	v0 =	vadd.f32 v8, v36  }
0x4a: {  	v4 =	vshrl.u32 v4, $0x3;
	v3 =	vld [tilespmem:s11+$0xFFFFFF00];
	v9 =	vadd.f32 v9, v36;
	[tilespmem:v6+s21+$0x0] =	vst.idx.msk $0xffff, v7  }
0x4b: {  	s12 =	simm.s32 $0x6;
	v4 =	vshll.u32 v4, v1;
	v13 =	vld [tilespmem:s11+$0xC0];
	[tilespmem:v10+s21+$0x0] =	vst.idx.msk $0xffff, v0;
	v7 =	vadd.f32 v11, v36  }
0x4c: {  	v2 =	vshrl.u32 v2, $0x3;
	v14 =	vmov s12;
	v55 =	vbroadcast v4, $0x0;
	[tilespmem:v12+s21+$0x0] =	vst.idx.msk $0xffff, v9;
	v4 =	vld [tilespmem:s11+$0xFFFFFF50]  }
0x4d: {  	v2 =	vshll.u32 v2, v1;
	v8 =	vshrl.u32 v14, $0x3;
	v10 =	vld [tilespmem:s11+$0xFFFFFF90];
	[tilespmem:v15+s21+$0x0] =	vst.idx.msk $0xffff, v7  }
0x4e: {  	v50 =	vbroadcast v2, $0x0;
	v8 =	vshll.u32 v8, v1;
	v11 =	vadd.s32 v61, v44;
	v12 =	vmovc v61;
	v61 =	vmovc v19;
	v19 =	vld [tilespmem:$0x1FE50]  }
0x4f: {  	v16 =	vld [tilespmem:s11+$0x80];
	v52 =	vbroadcast v8, $0x0;
	v0 =	vadd.s32 v57, v55  }
0x50: {  	v29 =	vmovc v54;
	v14 =	vld [tilespmem:s11+$0x40];
	v15 =	vadd.s32 v54, v50;
	v54 =	vbroadcast v17, $0x0;
	v17 =	vadd.s32 v22, v37  }
0x51: {  	v6 =	vld [tilespmem:s11+$0x10];
	[tilespmem:$0x1FDB0] =	vst v0;
	v0 =	vadd.s32 v21, v56  }
0x52: {  	v8 =	vadd.f32 v13, v36;
	v7 =	vadd.s32 v59, v52;
	v13 =	vld [tilespmem:s11+$0xFFFFFFD0];
	[tilespmem:$0x1FDE0] =	vst v0;
	v0 =	vadd.s32 v51, v55  }
0x53: {  	[tilespmem:$0x1FE00] =	vst v0;
	v39 =	vadd.f32 v4, v35;
	v4 =	vadd.f32 v10, v35;
	v0 =	vadd.s32 v19, v50  }
0x54: {  	v40 =	vadd.s32 v47, v55;
	v45 =	vadd.s32 v62, v5;
	v16 =	vadd.f32 v16, v36;
	[tilespmem:$0x1FDD0] =	vst v0  }
0x55: {  	v30 =	vmov v20;
	s3 =	simm.s32 $0x9900;
	v42 =	vadd.s32 v20, v52;
	v2 =	vadd.s32 v31, v52;
	v20 =	vld [tilespmem:$0x1FE70];
	[tilespmem:v17+s21+$0x0] =	vst.idx.msk $0xffff, v4  }
0x56: {  	s15 =	simm.s32 $0x9;
	v9 =	vadd.s32 v60, v5;
	v0 =	vmov v48;
	v48 =	vld [tilespmem:s3+$0xFFFFFF40];
	[tilespmem:$0x1FDF0] =	vst v2;
	v2 =	vadd.s32 v58, v54  }
0x57: {  	v32 =	vmovc v51;
	v47 =	vadd.s32 v24, v37;
	v43 =	vadd.s32 v63, v56;
	v51 =	vmov s15;
	[tilespmem:$0x1FE10] =	vst v2  }
0x58: {  	v3 =	vadd.f32 v3, v36;
	v4 =	vmov v59;
	v59 =	vshrl.u32 v51, $0x3;
	[tilespmem:v7+s21+$0x0] =	vst.idx.msk $0xffff, v16  }
0x59: {  	s18 =	simm.s32 $0xC;
	s5 =	simm.s32 $0xA;
	v14 =	vadd.f32 v14, v36;
	v41 =	vadd.s32 v25, v54;
	v51 =	vshll.u32 v59, v1;
	v59 =	vld [tilespmem:s11+$0x90]  }
0x5a: {  	v38 =	vadd.f32 v6, v35;
	v7 =	vmov s18;
	v16 =	vmov s5  }
0x5b: {  	v5 =	vmovc v21;
	v17 =	vadd.s32 v49, v44;
	v49 =	vld [tilespmem:s11+$0xFFFFFFA0];
	[tilespmem:v9+s21+$0x0] =	vst.idx.msk $0xffff, v39;
	v16 =	vshrl.u32 v16, $0x3;
	v7 =	vshrl.u32 v7, $0x3  }
0x5c: {  	v21 =	vmov v62;
	[tilespmem:v40+s21+$0x0] =	vst.idx.msk $0xffff, v14;
	v14 =	vshll.u32 v16, v1;
	v16 =	vld [tilespmem:s11+$0xFFFFFF60];
	v7 =	vshll.u32 v7, v1  }
0x5d: {  	s14 =	simm.s32 $0x8;
	v10 =	vadd.s32 v53, v50;
	v13 =	vadd.f32 v13, v35;
	[tilespmem:v11+s21+$0x0] =	vst.idx.msk $0xffff, v38;
	v62 =	vld [tilespmem:s3+$0x0];
	v40 =	vbroadcast v7, $0x0  }
0x5e: {  	v18 =	vmovc v60;
	s16 =	simm.s32 $0xF;
	v31 =	vmovc v53;
	v53 =	vmov s14;
	v60 =	vld [tilespmem:s3+$0xFFFFFF80];
	[tilespmem:v15+s21+$0x0] =	vst.idx.msk $0xffff, v8;
	v39 =	vbroadcast v14, $0x0;
	v15 =	vadd.f32 v59, v35  }
0x5f: {  	v58 =	vmov s16;
	v51 =	vbroadcast v51, $0x0;
	[tilespmem:v43+s21+$0x0] =	vst.idx.msk $0xffff, v13;
	v7 =	vld [tilespmem:s3+$0xFFFFFF00];
	v8 =	vadd.s32 v0, v40  }
0x60: {  	v13 =	vshrl.u32 v53, $0x3;
	v14 =	vadd.f32 v49, v34;
	v53 =	vadd.s32 v23, v39;
	[tilespmem:v42+s21+$0x0] =	vst.idx.msk $0xffff, v15;
	v42 =	vld [tilespmem:s11+$0xD0]  }
0x61: {  	[tilespmem:v41+s21+$0x0] =	vst.idx.msk $0xffff, v3;
	v49 =	vshrl.u32 v58, $0x3;
	v58 =	vadd.s32 v27, v51;
	v16 =	vadd.f32 v16, v34  }
0x62: {  	s18 =	simm.s32 $0xE;
	v59 =	vadd.f32 v62, v36;
	[tilespmem:v47+s21+$0x0] =	vst.idx.msk $0xffff, v14  }
0x63: {  	v0 =	vmov v63;
	v3 =	vadd.f32 v60, v36;
	v15 =	vmov s18;
	[tilespmem:v45+s21+$0x0] =	vst.idx.msk $0xffff, v16  }
0x64: {  	v63 =	vadd.f32 v48, v36;
	v48 =	vadd.f32 v7, v36;
	v15 =	vshrl.u32 v15, $0x3;
	[tilespmem:v8+s21+$0x0] =	vst.idx.msk $0xffff, v59  }
0x65: {  	v7 =	vshll.u32 v15, v1;
	[tilespmem:v53+s21+$0x0] =	vst.idx.msk $0xffff, v3;
	v3 =	vadd.f32 v42, v35  }
0x66: {  	[tilespmem:v58+s21+$0x0] =	vst.idx.msk $0xffff, v63;
	v41 =	vbroadcast v7, $0x0  }
0x67: {  	[tilespmem:v10+s21+$0x0] =	vst.idx.msk $0xffff, v3  }
0x68: {  	v59 =	vadd.s32 v4, v41;
	v4 =	vld [tilespmem:$0x1FDB0]  }
0x69: {  	s16 =	simm.s32 $0xB;
	v11 =	vld [tilespmem:s11+$0x50]  }
0x6a: {  	v43 =	vmov s16  }
0x6b: {  	v43 =	vshrl.u32 v43, $0x3  }
0x6c: {  	v16 =	vld [tilespmem:s11+$0x20];
	v15 =	vshll.u32 v43, v1  }
0x6d: {  	v62 =	vld [tilespmem:s3+$0xFFFFFFC0];
	v43 =	vbroadcast v15, $0x0  }
0x6e: {  	v60 =	vld [tilespmem:s11+$0xFFFFFF10];
	v11 =	vadd.f32 v11, v35  }
0x6f: {  	s7 =	simm.s32 $0xD;
	v8 =	vadd.s32 v61, v43  }
0x70: {  	v46 =	vadd.s32 v20, v54;
	v9 =	vmov s7;
	[tilespmem:v4+s21+$0x0] =	vst.idx.msk $0xffff, v11  }
0x71: {  	v9 =	vshrl.u32 v9, $0x3;
	v3 =	vadd.f32 v16, v34;
	v4 =	vld [tilespmem:$0x1FE20]  }
0x72: {  	v27 =	vadd.s32 v18, v51;
	v18 =	vadd.s32 v12, v40;
	v12 =	vadd.f32 v62, v36  }
0x73: {  	v9 =	vshll.u32 v9, v1;
	v11 =	vadd.f32 v60, v35;
	[tilespmem:v17+s21+$0x0] =	vst.idx.msk $0xffff, v3  }
0x74: {  	v42 =	vbroadcast v9, $0x0;
	[tilespmem:v8+s21+$0x0] =	vst.idx.msk $0xffff, v12  }
0x75: {  	v47 =	vshll.u32 v49, v1;
	[tilespmem:v46+s21+$0x0] =	vst.idx.msk $0xffff, v11  }
0x76: {  	v45 =	vbroadcast v47, $0x0;
	v47 =	vadd.s32 v57, v42;
	v57 =	vadd.s32 v4, v44;
	v4 =	vld [tilespmem:$0x1FE30];
	_ =	sdelay $0x4  }
0x77: {  	v60 =	vadd.s32 v4, v55;
	v4 =	vld [tilespmem:$0x1FDC0]  }
0x78: {  	v7 =	vld [tilespmem:s11+$0xFFFFFF70];
	_ =	sdelay $0x2  }
0x79: {  	v6 =	vld [tilespmem:s3+$0x80];
	_ =	sdelay $0x1  }
0x7a: {  	v7 =	vadd.f32 v7, v33;
	_ =	sdelay $0x1  }
0x7b: {  	[tilespmem:v4+s21+$0x0] =	vst.idx.msk $0xffff, v7  }
0x7c: {  	v8 =	vadd.f32 v6, v36;
	v6 =	vld [tilespmem:$0x1FDD0]  }
0x7d: {  	v10 =	vld [tilespmem:s11+$0xE0];
	_ =	sdelay $0x2  }
0x7e: {  	v9 =	vld [tilespmem:s11+$0xA0];
	_ =	sdelay $0x1  }
0x7f: {  	v10 =	vadd.f32 v10, v34;
	_ =	sdelay $0x1  }
0x80: {  	v2 =	vld [tilespmem:s11+$0xFFFFFFB0];
	[tilespmem:v6+s21+$0x0] =	vst.idx.msk $0xffff, v10  }
0x81: {  	v12 =	vadd.f32 v9, v34;
	v9 =	vld [tilespmem:$0x1FDE0]  }
0x82: {  	v16 =	vld [tilespmem:s11+$0xFFFFFFE0];
	_ =	sdelay $0x4  }
0x83: {  	v61 =	vadd.f32 v2, v33;
	v2 =	vadd.f32 v16, v34;
	_ =	sdelay $0x1  }
0x84: {  	[tilespmem:v9+s21+$0x0] =	vst.idx.msk $0xffff, v2  }
0x85: {  	v63 =	vadd.s32 v0, v43;
	v0 =	vld [tilespmem:$0x1FDF0];
	_ =	sdelay $0x6  }
0x86: {  	v11 =	vld [tilespmem:s11+$0x60]  }
0x87: {  	v58 =	vadd.s32 v30, v41;
	v30 =	vld [tilespmem:$0x1FEC0];
	[tilespmem:v0+s21+$0x0] =	vst.idx.msk $0xffff, v12  }
0x88: {  	v0 =	vld [tilespmem:$0x1FE60];
	_ =	sdelay $0x4  }
0x89: {  	v10 =	vadd.f32 v11, v34;
	v11 =	vadd.s32 v0, v50;
	v0 =	vld [tilespmem:$0x1FE00]  }
0x8a: {  	v17 =	vld [tilespmem:s3+$0xFFFFFF50]  }
0x8b: {  	v14 =	vld [tilespmem:s3+$0x40]  }
0x8c: {  	v46 =	vadd.s32 v5, v43;
	v5 =	vld [tilespmem:s11+$0x30]  }
0x8d: {  	v15 =	vld [tilespmem:s3+$0x10]  }
0x8e: {  	v7 =	vld [tilespmem:s3+$0xFFFFFF90]  }
0x8f: {  	v4 =	vadd.f32 v17, v35;
	v17 =	vld [tilespmem:s11+$0xFFFFFF20]  }
0x90: {  	v2 =	vld [tilespmem:s11+$0xF0]  }
0x91: {  	v13 =	vshll.u32 v13, v1;
	v12 =	vadd.f32 v5, v33;
	[tilespmem:v0+s21+$0x0] =	vst.idx.msk $0xffff, v10  }
0x92: {  	v44 =	vbroadcast v13, $0x0;
	v13 =	vadd.f32 v15, v35;
	v0 =	vld [tilespmem:$0x1FE40]  }
0x93: {  	v38 =	vadd.s32 v28, v51;
	v53 =	vadd.s32 v29, v45;
	v29 =	vld [tilespmem:$0x1FE80];
	[tilespmem:v57+s21+$0x0] =	vst.idx.msk $0xffff, v12  }
0x94: {  	v62 =	vadd.f32 v14, v36;
	v14 =	vadd.f32 v7, v35;
	v28 =	vld [tilespmem:$0x1FFC0];
	[tilespmem:v18+s21+$0x0] =	vst.idx.msk $0xffff, v13  }
0x95: {  	v7 =	vadd.f32 v17, v34;
	v17 =	vadd.f32 v2, v33;
	v2 =	vld [tilespmem:$0x1FE10];
	_ =	sdelay $0x4  }
0x96: {  	v49 =	vld [tilespmem:s3+$0xC0]  }
0x97: {  	v6 =	vld [tilespmem:s3+$0xFFFFFFD0]  }
0x98: {  	[tilespmem:v27+s21+$0x0] =	vst.idx.msk $0xffff, v4  }
0x99: {  	[tilespmem:v2+s21+$0x0] =	vst.idx.msk $0xffff, v7  }
0x9a: {  	v16 =	vadd.s32 v28, v42;
	v28 =	vld [tilespmem:$0x1FF00]  }
0x9b: {  	v49 =	vadd.f32 v49, v36;
	v3 =	vadd.s32 v22, v39;
	v15 =	vld [tilespmem:s11+$0xFFFFFFF0]  }
0x9c: {  	v55 =	vadd.s32 v25, v44;
	v6 =	vadd.f32 v6, v35;
	v9 =	vadd.s32 v30, v56;
	v12 =	vld [tilespmem:s11+$0xB0]  }
0x9d: {  	v56 =	vadd.s32 v31, v45;
	v50 =	vadd.s32 v32, v42;
	v4 =	vadd.s32 v24, v39;
	v2 =	vld [tilespmem:s11+$0x70]  }
0x9e: {  	v10 =	vadd.s32 v0, v52;
	v5 =	vadd.s32 v29, v54;
	v54 =	vadd.s32 v20, v44;
	v13 =	vld [tilespmem:s11+$0xFFFFFF30]  }
0x9f: {  	s12 =	simm.s32 $0x10;
	s9 =	sadd.s32 $0x6400, s9;
	s14 =	simm.s32 $0x9B00;
	v27 =	vmovc v30;
	v0 =	vadd.s32 v21, v51;
	v52 =	vadd.s32 v19, v45;
	v51 =	vadd.s32 v28, v41;
	v28 =	vld [tilespmem:$0x1FEE0]  }
.LBB2_3:
0xa0: {  	_ = 	snop  }
0xa1: {  	v18 =	vld [tilespmem:s14+$0xFFFFFF40]  }
0xa2: {  	v7 =	vld [tilespmem:$0x1FFA0];
	s16 =	smov.u32 s12;
	[tilespmem:v59+s21+$0x0] =	vst.idx.msk $0xffff, v8  }
0xa3: {  	v21 =	vadd.s32 v26, v37;
	v30 =	vld [tilespmem:$0x1FF20];
	[tilespmem:v3+s21+$0x0] =	vst.idx.msk $0xffff, v14;
	s7 =	sadd.s32 $0x2, s16  }
0xa4: {  	[tilespmem:v11+s21+$0x0] =	vst.idx.msk $0xffff, v17;
	v8 =	vld [tilespmem:s14+$0x80];
	v17 =	vmov s7;
	v3 =	vadd.f32 v15, v33  }
0xa5: {  	[tilespmem:v16+s21+$0x0] =	vst.idx.msk $0xffff, v62;
	v20 =	vld [tilespmem:s3+$0xFFFFFFA0];
	v16 =	vshrl.u32 v17, $0x3;
	v12 =	vadd.f32 v12, v33  }
0xa6: {  	[tilespmem:v9+s21+$0x0] =	vst.idx.msk $0xffff, v3;
	v9 =	vshll.u32 v16, v1;
	v16 =	vld [tilespmem:s3+$0x90]  }
0xa7: {  	v13 =	vadd.f32 v13, v33;
	[tilespmem:v10+s21+$0x0] =	vst.idx.msk $0xffff, v12;
	v12 =	vld [tilespmem:s3+$0xFFFFFF60]  }
0xa8: {  	s18 =	sadd.s32 $0x4, s16;
	v22 =	vld [tilespmem:s14+$0xFFFFFF80];
	[tilespmem:v21+s21+$0x0] =	vst.idx.msk $0xffff, v61;
	v3 =	vadd.f32 v2, v33  }
0xa9: {  	s15 =	sadd.s32 $0x7, s12;
	v37 =	vmov v39;
	v14 =	vmov s18;
	v17 =	vld [tilespmem:s3+$0x50];
	[tilespmem:v5+s21+$0x0] =	vst.idx.msk $0xffff, v13;
	v39 =	vbroadcast v9, $0x0  }
0xaa: {  	v32 =	vmov s16;
	s5 =	sadd.s32 $0x5, s16;
	v19 =	vmov s15;
	v10 =	vshrl.u32 v14, $0x3;
	v14 =	vld [tilespmem:$0x1FFE0];
	[tilespmem:v60+s21+$0x0] =	vst.idx.msk $0xffff, v3  }
0xab: {  	s11 =	sadd.s32 $0x6, s16;
	s15 =	sadd.s32 $0x1, s16;
	s16 =	sadd.s32 $0x3, s16;
	v5 =	vld [tilespmem:s14+$0xFFFFFF00];
	v3 =	vshll.u32 v10, v1;
	v10 =	vadd.f32 v20, v34;
	v21 =	vadd.s32 v23, v39  }
0xac: {  	v13 =	vshrl.u32 v32, $0x3;
	v32 =	vmov s16;
	[tilespmem:v63+s21+$0x0] =	vst.idx.msk $0xffff, v6;
	v6 =	vld [tilespmem:$0x1FEF0];
	v12 =	vadd.f32 v12, v34  }
0xad: {  	v11 =	vmov s15;
	v59 =	vshrl.u32 v32, $0x3;
	v32 =	vld [tilespmem:s14+$0xC0];
	[tilespmem:v4+s21+$0x0] =	vst.idx.msk $0xffff, v10  }
0xae: {  	v11 =	vshrl.u32 v11, $0x3;
	v20 =	vld [tilespmem:s14+$0x0];
	[tilespmem:v0+s21+$0x0] =	vst.idx.msk $0xffff, v12;
	v12 =	vadd.f32 v22, v36  }
0xaf: {  	v2 =	vshll.u32 v11, v1;
	v0 =	vld [tilespmem:s3+$0xFFFFFFB0]  }
0xb0: {  	v3 =	vbroadcast v3, $0x0;
	v4 =	vadd.f32 v18, v36;
	v18 =	vmov s11;
	[tilespmem:v21+s21+$0x0] =	vst.idx.msk $0xffff, v12;
	v21 =	vld [tilespmem:$0x1FF30]  }
0xb1: {  	v15 =	vmov s5;
	v2 =	vbroadcast v2, $0x0;
	v60 =	vld [tilespmem:s3+$0x20];
	v18 =	vshrl.u32 v18, $0x3  }
0xb2: {  	v9 =	vld [tilespmem:s14+$0x40];
	v16 =	vadd.f32 v16, v35;
	v6 =	vadd.s32 v6, v3;
	v18 =	vshll.u32 v18, v1  }
0xb3: {  	v11 =	vshrl.u32 v19, $0x3;
	[tilespmem:v53+s21+$0x0] =	vst.idx.msk $0xffff, v49;
	v10 =	vld [tilespmem:s14+$0xFFFFFFC0];
	v14 =	vadd.s32 v14, v2;
	v18 =	vbroadcast v18, $0x0  }
0xb4: {  	v15 =	vshrl.u32 v15, $0x3;
	v11 =	vshll.u32 v11, v1;
	v63 =	vshll.u32 v59, v1;
	[tilespmem:v58+s21+$0x0] =	vst.idx.msk $0xffff, v16;
	v16 =	vld [tilespmem:s3+$0xD0]  }
0xb5: {  	v20 =	vadd.f32 v20, v36;
	v59 =	vadd.s32 v21, v18;
	v21 =	vbroadcast v11, $0x0;
	v11 =	vld [tilespmem:$0x1FF40]  }
0xb6: {  	v15 =	vshll.u32 v15, v1;
	v22 =	vld [tilespmem:s3+$0xFFFFFF70]  }
0xb7: {  	v7 =	vadd.s32 v7, v40;
	[tilespmem:v6+s21+$0x0] =	vst.idx.msk $0xffff, v20;
	v6 =	vbroadcast v15, $0x0;
	v15 =	vld [tilespmem:s3+$0xA0]  }
0xb8: {  	[tilespmem:v14+s21+$0x0] =	vst.idx.msk $0xffff, v4;
	v14 =	vld [tilespmem:$0x1FE20]  }
0xb9: {  	v17 =	vadd.f32 v17, v35;
	v53 =	vadd.s32 v30, v21;
	v30 =	vld [tilespmem:$0x1FE30]  }
0xba: {  	v49 =	vadd.f32 v32, v36;
	v58 =	vadd.f32 v60, v34;
	v32 =	vadd.s32 v11, v3;
	v11 =	vld [tilespmem:$0x1FF70]  }
0xbb: {  	[tilespmem:v47+s21+$0x0] =	vst.idx.msk $0xffff, v17;
	v12 =	vld [tilespmem:s14+$0x10]  }
0xbc: {  	[tilespmem:v7+s21+$0x0] =	vst.idx.msk $0xffff, v58;
	v7 =	vld [tilespmem:s3+$0x60];
	v61 =	vadd.f32 v0, v33;
	v0 =	vadd.f32 v15, v34  }
0xbd: {  	v31 =	vmov v24;
	v24 =	vadd.s32 v14, v40;
	v14 =	vld [tilespmem:s14+$0xFFFFFF50]  }
0xbe: {  	v40 =	vmov v3;
	[tilespmem:v51+s21+$0x0] =	vst.idx.msk $0xffff, v0;
	v0 =	vld [tilespmem:$0x1FE60]  }
0xbf: {  	v3 =	vld [tilespmem:$0x1FF50];
	v60 =	vadd.s32 v30, v42;
	v42 =	vmovc v6;
	v11 =	vadd.s32 v11, v6;
	v6 =	vadd.f32 v22, v33  }
0xc0: {  	v5 =	vadd.f32 v5, v36;
	v47 =	vmov v11;
	v11 =	vld [tilespmem:s3+$0x30]  }
0xc1: {  	[tilespmem:v38+s21+$0x0] =	vst.idx.msk $0xffff, v6;
	v6 =	vadd.f32 v7, v34;
	v7 =	vld [tilespmem:$0x1FEB0]  }
0xc2: {  	[tilespmem:v55+s21+$0x0] =	vst.idx.msk $0xffff, v48;
	v48 =	vmov v5;
	v5 =	vbroadcast v63, $0x0;
	v16 =	vadd.f32 v16, v35;
	_ =	sdelay $0x1  }
0xc3: {  	v4 =	vadd.f32 v10, v36;
	v10 =	vld [tilespmem:s3+$0xFFFFFFE0];
	[tilespmem:v56+s21+$0x0] =	vst.idx.msk $0xffff, v16;
	v16 =	vadd.s32 v3, v5  }
0xc4: {  	v3 =	vld [tilespmem:$0x1FFF0]  }
0xc5: {  	v58 =	vadd.s32 v7, v18;
	v7 =	vadd.f32 v11, v33;
	v11 =	vadd.s32 v0, v45;
	v0 =	vld [tilespmem:$0x1FF90];
	_ =	sdelay $0x1  }
0xc6: {  	v55 =	vld [tilespmem:s3+$0xFFFFFF10]  }
0xc7: {  	v10 =	vadd.f32 v10, v34;
	[tilespmem:v16+s21+$0x0] =	vst.idx.msk $0xffff, v4  }
0xc8: {  	v56 =	vadd.s32 v3, v5;
	v16 =	vld [tilespmem:s14+$0xFFFFFFD0];
	v45 =	vmov v21  }
0xc9: {  	[tilespmem:v46+s21+$0x0] =	vst.idx.msk $0xffff, v10;
	v46 =	vmov v56;
	v56 =	vadd.s32 v0, v45;
	v0 =	vld [tilespmem:$0x1FE40];
	_ =	sdelay $0x1  }
0xca: {  	v62 =	vadd.f32 v9, v36;
	v9 =	vadd.f32 v55, v35;
	_ =	sdelay $0x1  }
0xcb: {  	[tilespmem:v54+s21+$0x0] =	vst.idx.msk $0xffff, v9;
	v9 =	vadd.s32 v27, v43;
	v43 =	vmov v5;
	v5 =	vld [tilespmem:$0x1FF80]  }
0xcc: {  	v10 =	vadd.s32 v0, v41;
	v0 =	vld [tilespmem:$0x1FE70]  }
0xcd: {  	v13 =	vshll.u32 v13, v1  }
0xce: {  	v13 =	vbroadcast v13, $0x0;
	_ =	sdelay $0x1  }
0xcf: {  	v57 =	vadd.s32 v28, v44;
	v63 =	vadd.s32 v5, v43;
	v5 =	vadd.s32 v29, v44;
	v44 =	vmovc v13  }
0xd0: {  	v54 =	vadd.s32 v0, v44;
	v0 =	vld [tilespmem:$0x1FFC0];
	_ =	sdelay $0x1  }
0xd1: {  	v19 =	vld [tilespmem:$0x1FFD0]  }
0xd2: {  	v20 =	vld [tilespmem:$0x1FEA0]  }
0xd3: {  	v17 =	vld [tilespmem:s3+$0xE0]  }
0xd4: {  	[tilespmem:v50+s21+$0x0] =	vst.idx.msk $0xffff, v6;
	v6 =	vadd.f32 v16, v35;
	v16 =	vadd.s32 v0, v42;
	v0 =	vld [tilespmem:$0x1FE90];
	_ =	sdelay $0x2  }
0xd5: {  	v55 =	vadd.s32 v25, v13  }
0xd6: {  	v15 =	vadd.f32 v17, v34;
	v30 =	vmovc v26;
	v26 =	vmov v25;
	v25 =	vadd.f32 v12, v35;
	v12 =	vld [tilespmem:s14+$0xFFFFFF90]  }
0xd7: {  	v19 =	vadd.s32 v19, v2;
	v20 =	vadd.s32 v20, v2;
	v0 =	vadd.s32 v0, v2;
	v2 =	vld [tilespmem:$0x1FF10]  }
0xd8: {  	[tilespmem:v52+s21+$0x0] =	vst.idx.msk $0xffff, v15;
	v4 =	vld [tilespmem:s3+$0xFFFFFF20]  }
0xd9: {  	v17 =	vld [tilespmem:s3+$0xF0]  }
0xda: {  	v3 =	vld [tilespmem:$0x1FF60]  }
0xdb: {  	[tilespmem:v24+s21+$0x0] =	vst.idx.msk $0xffff, v7;
	v7 =	vld [tilespmem:$0x1FF00]  }
0xdc: {  	p1 =	slt.u32 s12, $0x78;
	v22 =	vadd.f32 v14, v35;
	v50 =	vadd.s32 v2, v42;
	v2 =	vld [tilespmem:$0x1FE50]  }
.Ltmp2:
0xdd: {  	v4 =	vadd.f32 v4, v34;
	(pc) =	sbr.rel @p1 .LBB2_3-.Ltmp2, $4  }
0xde: {  	v14 =	vadd.f32 v12, v35;
	v12 =	vld [tilespmem:s3+$0xB0];
	[tilespmem:v20+s21+$0x0] =	vst.idx.msk $0xffff, v22  }
0xdf: {  	v8 =	vadd.f32 v8, v36;
	v38 =	vmov v19;
	v17 =	vadd.f32 v17, v33;
	v15 =	vld [tilespmem:s3+$0xFFFFFFF0];
	[tilespmem:v57+s21+$0x0] =	vst.idx.msk $0xffff, v4  }
0xe0: {  	v24 =	vmovc v31;
	v3 =	vadd.s32 v3, v39;
	[tilespmem:v32+s21+$0x0] =	vst.idx.msk $0xffff, v25;
	v25 =	vmov v26;
	v13 =	vld [tilespmem:s3+$0xFFFFFF30];
	v41 =	vmov v18  }
0xe1: {  	s12 =	sadd.s32 $0x8, s12;
	v26 =	vmovc v30;
	v4 =	vadd.s32 v31, v39;
	v51 =	vadd.s32 v7, v41;
	v52 =	vadd.s32 v2, v45;
	v2 =	vld [tilespmem:s3+$0x70];
	s3 =	smov.u32 s14;
	s14 =	sadd.s32 $0x200, s14  }
0xe2: {  	_ =	sdelay $0x3  }
0xe3: {  	[tilespmem:v59+s21+$0x0] =	vst.idx.msk $0xffff, v8  }
0xe4: {  	[tilespmem:v3+s21+$0x0] =	vst.idx.msk $0xffff, v14  }
0xe5: {  	[tilespmem:v53+s21+$0x0] =	vst.idx.msk $0xffff, v49  }
0xe6: {  	[tilespmem:v11+s21+$0x0] =	vst.idx.msk $0xffff, v17;
	v3 =	vadd.f32 v15, v33  }
0xe7: {  	[tilespmem:v16+s21+$0x0] =	vst.idx.msk $0xffff, v62;
	v8 =	vadd.s32 v26, v37;
	v7 =	vld [tilespmem:s3+$0xD0]  }
0xe8: {  	[tilespmem:v9+s21+$0x0] =	vst.idx.msk $0xffff, v3;
	v3 =	vld [tilespmem:s3+$0x90]  }
0xe9: {  	[tilespmem:v55+s21+$0x0] =	vst.idx.msk $0xffff, v48;
	v11 =	vadd.f32 v12, v33  }
0xea: {  	[tilespmem:v63+s21+$0x0] =	vst.idx.msk $0xffff, v6  }
0xeb: {  	[tilespmem:v10+s21+$0x0] =	vst.idx.msk $0xffff, v11;
	v2 =	vadd.f32 v2, v33  }
0xec: {  	[tilespmem:v8+s21+$0x0] =	vst.idx.msk $0xffff, v61;
	v7 =	vadd.f32 v7, v35  }
0xed: {  	[tilespmem:v60+s21+$0x0] =	vst.idx.msk $0xffff, v2;
	v3 =	vadd.f32 v3, v35  }
0xee: {  	[tilespmem:v56+s21+$0x0] =	vst.idx.msk $0xffff, v7  }
0xef: {  	v9 =	vld [tilespmem:s3+$0x50];
	[tilespmem:v58+s21+$0x0] =	vst.idx.msk $0xffff, v3  }
0xf0: {  	v49 =	vld [tilespmem:$0x1FFA0]  }
0xf1: {  	v2 =	vld [tilespmem:s3+$0xFFFFFF10]  }
0xf2: {  	v8 =	vld [tilespmem:s3+$0xFFFFFF60]  }
0xf3: {  	v7 =	vld [tilespmem:s3+$0x20]  }
0xf4: {  	v6 =	vadd.f32 v9, v35;
	v9 =	vld [tilespmem:s3+$0xE0]  }
0xf5: {  	v10 =	vadd.f32 v13, v33;
	v11 =	vld [tilespmem:s3+$0xFFFFFFE0];
	v3 =	vadd.s32 v49, v40  }
0xf6: {  	v2 =	vadd.f32 v2, v35;
	[tilespmem:v47+s21+$0x0] =	vst.idx.msk $0xffff, v6;
	v6 =	vld [tilespmem:s3+$0xA0]  }
0xf7: {  	[tilespmem:v5+s21+$0x0] =	vst.idx.msk $0xffff, v10;
	v5 =	vadd.f32 v8, v34;
	v8 =	vld [tilespmem:s3+$0x60]  }
0xf8: {  	[tilespmem:v54+s21+$0x0] =	vst.idx.msk $0xffff, v2;
	v2 =	vld [tilespmem:s3+$0xFFFFFFA0];
	v7 =	vadd.f32 v7, v34  }
0xf9: {  	[tilespmem:v0+s21+$0x0] =	vst.idx.msk $0xffff, v5;
	v0 =	vld [tilespmem:s3+$0xFFFFFF20];
	v5 =	vadd.f32 v9, v34  }
0xfa: {  	[tilespmem:v3+s21+$0x0] =	vst.idx.msk $0xffff, v7;
	v3 =	vadd.f32 v11, v34  }
0xfb: {  	v9 =	vld [tilespmem:s3+$0xFFFFFF70];
	[tilespmem:v52+s21+$0x0] =	vst.idx.msk $0xffff, v5;
	v6 =	vadd.f32 v6, v34;
	v7 =	vadd.s32 v28, v44  }
0xfc: {  	v5 =	vadd.f32 v8, v34;
	v10 =	vld [tilespmem:s3+$0x30];
	[tilespmem:v46+s21+$0x0] =	vst.idx.msk $0xffff, v3  }
0xfd: {  	v2 =	vadd.f32 v2, v34;
	v8 =	vld [tilespmem:$0x1FE20];
	[tilespmem:v51+s21+$0x0] =	vst.idx.msk $0xffff, v6  }
0xfe: {  	v0 =	vadd.f32 v0, v34;
	v51 =	vld [tilespmem:$0x1FE60];
	[tilespmem:v50+s21+$0x0] =	vst.idx.msk $0xffff, v5  }
0xff: {  	v3 =	vld [tilespmem:s3+$0xF0];
	[tilespmem:v4+s21+$0x0] =	vst.idx.msk $0xffff, v2  }
0x100: {  	v13 =	vld [tilespmem:$0x1FE40];
	[tilespmem:v7+s21+$0x0] =	vst.idx.msk $0xffff, v0  }
0x101: {  	v0 =	vld [tilespmem:$0x1FE30]  }
0x102: {  	v11 =	vld [tilespmem:s3+$0xFFFFFFF0];
	v8 =	vadd.s32 v8, v40  }
0x103: {  	v5 =	vld [tilespmem:s3+$0xB0];
	v6 =	vadd.s32 v51, v45  }
0x104: {  	v2 =	vadd.f32 v9, v33;
	v4 =	vadd.s32 v27, v43;
	v9 =	vld [tilespmem:s3+$0x70]  }
0x105: {  	v12 =	vld [tilespmem:s3+$0xFFFFFFB0];
	v10 =	vadd.f32 v10, v33;
	v13 =	vadd.s32 v13, v41  }
0x106: {  	[tilespmem:v38+s21+$0x0] =	vst.idx.msk $0xffff, v2;
	v2 =	vadd.f32 v3, v33;
	v3 =	vld [tilespmem:s3+$0xFFFFFF30];
	v0 =	vadd.s32 v0, v42  }
0x107: {  	v7 =	vadd.f32 v11, v33;
	[tilespmem:v8+s21+$0x0] =	vst.idx.msk $0xffff, v10;
	v8 =	vadd.s32 v26, v39  }
0x108: {  	v10 =	vadd.s32 v29, v44;
	[tilespmem:v6+s21+$0x0] =	vst.idx.msk $0xffff, v2;
	v2 =	vadd.f32 v5, v33  }
0x109: {  	[tilespmem:v4+s21+$0x0] =	vst.idx.msk $0xffff, v7;
	v4 =	vadd.f32 v9, v33  }
0x10a: {  	v5 =	vadd.f32 v12, v33;
	[tilespmem:v13+s21+$0x0] =	vst.idx.msk $0xffff, v2  }
0x10b: {  	v2 =	vadd.f32 v3, v33;
	[tilespmem:v0+s21+$0x0] =	vst.idx.msk $0xffff, v4  }
0x10c: {  	[tilespmem:v8+s21+$0x0] =	vst.idx.msk $0xffff, v5  }
0x10d: {  	[tilespmem:v10+s21+$0x0] =	vst.idx.msk $0xffff, v2  }
0x10e: {  	v36 =	vld [tilespmem:s9+$0x40]  }
0x10f: {  	s11 =	simm.s32 $0x80;
	s5 =	simm.s32 $0x81;
	s18 =	simm.s32 $0x87;
	v35 =	vld [tilespmem:s9+$0x50]  }
0x110: {  	s12 =	simm.s32 $0x82;
	v0 =	vmov s11;
	v3 =	vmov s5;
	v8 =	vmov s18;
	v50 =	vld [tilespmem:$0x1FF20]  }
0x111: {  	v4 =	vmov s12;
	v0 =	vshrl.u32 v0, $0x3;
	v34 =	vld [tilespmem:s9+$0x60];
	v8 =	vshrl.u32 v8, $0x3  }
0x112: {  	s7 =	simm.s32 $0x84;
	s3 =	simm.s32 $0xB7F0;
	v3 =	vshrl.u32 v3, $0x3;
	v4 =	vshrl.u32 v4, $0x3;
	v33 =	vld [tilespmem:s9+$0x70];
	v8 =	vshll.u32 v8, v1  }
0x113: {  	v5 =	vmov s7;
	v0 =	vshll.u32 v0, v1;
	v9 =	vld [tilespmem:s3+$0xFFFFFFD0];
	v39 =	vbroadcast v8, $0x0  }
0x114: {  	v3 =	vshll.u32 v3, v1;
	v5 =	vshrl.u32 v5, $0x3;
	v42 =	vbroadcast v0, $0x0;
	v61 =	vld [tilespmem:$0x1FFE0]  }
0x115: {  	v43 =	vbroadcast v3, $0x0;
	v3 =	vshll.u32 v5, v1;
	v8 =	vld [tilespmem:s3+$0xFFFFFE10];
	v5 =	vadd.s32 v50, v39  }
0x116: {  	s15 =	simm.s32 $0x85;
	s16 =	simm.s32 $0x86;
	v0 =	vshll.u32 v4, v1;
	v4 =	vld [tilespmem:s3+$0xFFFFFE50]  }
0x117: {  	v7 =	vmov s16;
	v6 =	vmov s15;
	v11 =	vld [tilespmem:s3+$0xFFFFFE90];
	v10 =	vadd.s32 v25, v42  }
0x118: {  	s14 =	simm.s32 $0x83;
	v6 =	vshrl.u32 v6, $0x3;
	v12 =	vld [tilespmem:s3+$0xFFFFFED0];
	v40 =	vbroadcast v3, $0x0;
	v3 =	vadd.f32 v9, v36  }
0x119: {  	v2 =	vmov s14;
	v56 =	vld [tilespmem:$0x1FF50];
	v44 =	vbroadcast v0, $0x0;
	v0 =	vshll.u32 v6, v1  }
0x11a: {  	v2 =	vshrl.u32 v2, $0x3;
	v13 =	vld [tilespmem:s3+$0xFFFFFF10];
	v6 =	vadd.s32 v61, v43;
	v8 =	vadd.f32 v8, v36;
	[tilespmem:v5+s21+$0x0] =	vst.idx.msk $0xffff, v3  }
0x11b: {  	v7 =	vshrl.u32 v7, $0x3;
	v2 =	vshll.u32 v2, v1;
	v57 =	vld [tilespmem:$0x1FEF0]  }
0x11c: {  	v14 =	vld [tilespmem:s3+$0xFFFFFF50];
	v41 =	vbroadcast v2, $0x0;
	v2 =	vshll.u32 v7, v1;
	v7 =	vadd.s32 v23, v44;
	[tilespmem:v10+s21+$0x0] =	vst.idx.msk $0xffff, v8  }
0x11d: {  	v20 =	vmov v28;
	v37 =	vbroadcast v0, $0x0;
	v0 =	vadd.f32 v4, v36;
	v28 =	vld [tilespmem:$0x1FFC0]  }
0x11e: {  	v9 =	vadd.s32 v56, v41;
	v4 =	vld [tilespmem:s3+$0xFFFFFF90]  }
0x11f: {  	v38 =	vbroadcast v2, $0x0;
	v2 =	vadd.f32 v11, v36;
	v8 =	vld [tilespmem:s3+$0xFFFFFFE0];
	[tilespmem:v6+s21+$0x0] =	vst.idx.msk $0xffff, v0  }
0x120: {  	v32 =	vld [tilespmem:$0x1FF30];
	v3 =	vadd.s32 v57, v40  }
0x121: {  	v0 =	vld [tilespmem:s3+$0xFFFFFE20];
	v6 =	vadd.f32 v12, v36;
	[tilespmem:v7+s21+$0x0] =	vst.idx.msk $0xffff, v2  }
0x122: {  	v53 =	vld [tilespmem:$0x1FF90];
	v5 =	vadd.s32 v28, v37  }
0x123: {  	v2 =	vld [tilespmem:s3+$0xFFFFFE60];
	v7 =	vadd.f32 v13, v36;
	[tilespmem:v9+s21+$0x0] =	vst.idx.msk $0xffff, v6  }
0x124: {  	v52 =	vld [tilespmem:$0x1FE70]  }
0x125: {  	v12 =	vld [tilespmem:s3+$0xFFFFFEA0];
	v9 =	vadd.f32 v14, v36;
	v10 =	vadd.s32 v32, v38;
	[tilespmem:v3+s21+$0x0] =	vst.idx.msk $0xffff, v7  }
0x126: {  	v55 =	vld [tilespmem:$0x1FEA0]  }
0x127: {  	v13 =	vld [tilespmem:s3+$0xFFFFFEE0];
	v11 =	vadd.s32 v53, v39;
	[tilespmem:v5+s21+$0x0] =	vst.idx.msk $0xffff, v9  }
0x128: {  	v4 =	vadd.f32 v4, v36;
	v21 =	vld [tilespmem:$0x1FF60]  }
0x129: {  	v6 =	vadd.s32 v52, v42;
	v15 =	vld [tilespmem:s3+$0xFFFFFF20]  }
0x12a: {  	v5 =	vadd.f32 v8, v35;
	[tilespmem:v10+s21+$0x0] =	vst.idx.msk $0xffff, v4;
	v10 =	vld [tilespmem:s3+$0xFFFFFF60]  }
0x12b: {  	v19 =	vld [tilespmem:$0x1FF80];
	v3 =	vadd.s32 v55, v43  }
0x12c: {  	v0 =	vadd.f32 v0, v35;
	[tilespmem:v11+s21+$0x0] =	vst.idx.msk $0xffff, v5;
	v8 =	vld [tilespmem:s3+$0xFFFFFFA0]  }
0x12d: {  	v54 =	vld [tilespmem:$0x1FF40];
	v14 =	vadd.s32 v21, v44  }
0x12e: {  	v2 =	vadd.f32 v2, v35;
	[tilespmem:v6+s21+$0x0] =	vst.idx.msk $0xffff, v0;
	v6 =	vld [tilespmem:s3+$0xFFFFFFF0]  }
0x12f: {  	v62 =	vld [tilespmem:$0x1FF70]  }
0x130: {  	v0 =	vadd.f32 v12, v35;
	v4 =	vld [tilespmem:s3+$0xFFFFFE30];
	[tilespmem:v3+s21+$0x0] =	vst.idx.msk $0xffff, v2  }
0x131: {  	v16 =	vld [tilespmem:$0x1FEB0]  }
0x132: {  	[tilespmem:v14+s21+$0x0] =	vst.idx.msk $0xffff, v0;
	v3 =	vld [tilespmem:s3+$0xFFFFFE70]  }
0x133: {  	v11 =	vadd.f32 v15, v35;
	v15 =	vld [tilespmem:$0x1FE50]  }
0x134: {  	v63 =	vld [tilespmem:$0x1FE90]  }
0x135: {  	v9 =	vadd.s32 v19, v41;
	v47 =	vld [tilespmem:$0x1FFD0]  }
0x136: {  	v7 =	vadd.s32 v54, v40;
	v14 =	vmov v20;
	v20 =	vld [tilespmem:$0x1FFF0]  }
0x137: {  	v5 =	vadd.s32 v62, v37;
	v46 =	vld [tilespmem:$0x1FF10]  }
0x138: {  	v48 =	vmovc v27;
	s9 =	simm.s32 $0x0;
	v12 =	vadd.f32 v13, v35;
	v22 =	vld [tilespmem:$0x1FF00];
	v2 =	vadd.s32 v16, v38;
	v0 =	vadd.s32 v15, v39  }
.LBB2_5:
0x139: {  	v13 =	vadd.s32 v14, v42  }
0x13a: {  	[tilespmem:v9+s21+$0x0] =	vst.idx.msk $0xffff, v12;
	v9 =	vadd.f32 v10, v35  }
0x13b: {  	v27 =	vmov v14;
	v14 =	vld [tilespmem:s3+$0xFFFFFEB0];
	v12 =	vadd.s32 v63, v43;
	[tilespmem:v7+s21+$0x0] =	vst.idx.msk $0xffff, v11;
	v7 =	vadd.f32 v8, v35  }
0x13c: {  	v59 =	vmov v15;
	v15 =	vld [tilespmem:s3+$0xFFFFFEF0];
	v4 =	vadd.f32 v4, v34;
	[tilespmem:v5+s21+$0x0] =	vst.idx.msk $0xffff, v9  }
0x13d: {  	v45 =	vmov v16;
	v11 =	vadd.s32 v24, v44;
	v16 =	vld [tilespmem:s3+$0xFFFFFF30];
	v5 =	vadd.f32 v6, v34;
	[tilespmem:v2+s21+$0x0] =	vst.idx.msk $0xffff, v7  }
0x13e: {  	v3 =	vadd.f32 v3, v34;
	v9 =	vadd.s32 v20, v41;
	[tilespmem:v13+s21+$0x0] =	vst.idx.msk $0xffff, v4;
	v17 =	vld [tilespmem:s3+$0xFFFFFF70]  }
0x13f: {  	v7 =	vadd.s32 v49, v40;
	v18 =	vld [tilespmem:s3+$0xFFFFFFB0];
	[tilespmem:v0+s21+$0x0] =	vst.idx.msk $0xffff, v5  }
0x140: {  	v4 =	vadd.f32 v14, v34;
	[tilespmem:v12+s21+$0x0] =	vst.idx.msk $0xffff, v3;
	v5 =	vadd.s32 v46, v37;
	v13 =	vld [tilespmem:s3+$0x0]  }
0x141: {  	v58 =	vmovc v62;
	v62 =	vmov v20;
	v12 =	vadd.s32 v22, v38;
	v3 =	vadd.f32 v15, v34;
	v20 =	vld [tilespmem:s3+$0xFFFFFE80]  }
0x142: {  	[tilespmem:v11+s21+$0x0] =	vst.idx.msk $0xffff, v4;
	v4 =	vadd.f32 v16, v34;
	v11 =	vadd.s32 v51, v39  }
0x143: {  	v60 =	vmov v19;
	v19 =	vld [tilespmem:s3+$0xFFFFFE40];
	[tilespmem:v9+s21+$0x0] =	vst.idx.msk $0xffff, v3;
	v9 =	vadd.s32 v47, v43;
	v3 =	vadd.f32 v17, v34  }
0x144: {  	s5 =	sadd.s32 $0x88, s9;
	s7 =	sadd.s32 $0x89, s9;
	v16 =	vadd.s32 v29, v42;
	v42 =	vmov v21;
	v21 =	vld [tilespmem:s3+$0xFFFFFEC0];
	[tilespmem:v7+s21+$0x0] =	vst.idx.msk $0xffff, v4;
	v4 =	vadd.f32 v18, v34  }
0x145: {  	v10 =	vmov s5;
	v8 =	vmov s7;
	v17 =	vld [tilespmem:s3+$0xFFFFFF00];
	[tilespmem:v5+s21+$0x0] =	vst.idx.msk $0xffff, v3;
	v3 =	vadd.f32 v13, v33  }
0x146: {  	s11 =	sadd.s32 $0x8A, s9;
	s12 =	sadd.s32 $0x8B, s9;
	s15 =	sadd.s32 $0x8D, s9;
	v10 =	vshrl.u32 v10, $0x3;
	v8 =	vshrl.u32 v8, $0x3;
	[tilespmem:v12+s21+$0x0] =	vst.idx.msk $0xffff, v4;
	v4 =	vadd.f32 v20, v33;
	v12 =	vld [tilespmem:$0x1FE20]  }
0x147: {  	s16 =	sadd.s32 $0x8E, s9;
	v6 =	vmov s11;
	v2 =	vmov s12;
	v14 =	vmov s15;
	[tilespmem:v11+s21+$0x0] =	vst.idx.msk $0xffff, v3;
	v11 =	vld [tilespmem:$0x1FE30]  }
0x148: {  	v10 =	vshll.u32 v10, v1;
	v8 =	vshll.u32 v8, v1;
	v15 =	vmov s16;
	[tilespmem:v9+s21+$0x0] =	vst.idx.msk $0xffff, v4;
	v9 =	vld [tilespmem:$0x1FE40]  }
0x149: {  	v6 =	vshrl.u32 v6, $0x3;
	v2 =	vshrl.u32 v2, $0x3;
	v7 =	vadd.s32 v26, v44;
	v18 =	vld [tilespmem:s3+$0xFFFFFF40]  }
0x14a: {  	v6 =	vshll.u32 v6, v1;
	v5 =	vadd.f32 v19, v33;
	v13 =	vadd.s32 v48, v41;
	v19 =	vld [tilespmem:s3+$0xFFFFFF80]  }
0x14b: {  	s18 =	sadd.s32 $0x8F, s9;
	v2 =	vshll.u32 v2, v1;
	v20 =	vld [tilespmem:s3+$0xFFFFFFC0];
	v3 =	vshrl.u32 v14, $0x3;
	v12 =	vadd.s32 v12, v40  }
0x14c: {  	[tilespmem:v16+s21+$0x0] =	vst.idx.msk $0xffff, v5;
	v5 =	vadd.f32 v21, v33;
	v14 =	vmov s18;
	v11 =	vadd.s32 v11, v37  }
0x14d: {  	s14 =	sadd.s32 $0x8C, s9;
	v4 =	vadd.f32 v17, v33;
	v14 =	vshrl.u32 v14, $0x3;
	v9 =	vadd.s32 v9, v38  }
0x14e: {  	v0 =	vmov s14;
	s3 =	sadd.s32 $0x200, s3;
	[tilespmem:v7+s21+$0x0] =	vst.idx.msk $0xffff, v5;
	v5 =	vadd.f32 v18, v33;
	v14 =	vshll.u32 v14, v1  }
0x14f: {  	v0 =	vshrl.u32 v0, $0x3;
	[tilespmem:v13+s21+$0x0] =	vst.idx.msk $0xffff, v4;
	v13 =	vld [tilespmem:s3+$0xFFFFFFD0];
	v39 =	vbroadcast v14, $0x0;
	v4 =	vadd.f32 v19, v33  }
0x150: {  	v43 =	vbroadcast v8, $0x0;
	v21 =	vmovc v42;
	v42 =	vbroadcast v10, $0x0;
	[tilespmem:v12+s21+$0x0] =	vst.idx.msk $0xffff, v5;
	v5 =	vadd.f32 v20, v33;
	v12 =	vld [tilespmem:s3+$0xFFFFFE10]  }
0x151: {  	v0 =	vshll.u32 v0, v1;
	v44 =	vbroadcast v6, $0x0;
	v8 =	vadd.s32 v50, v39;
	[tilespmem:v11+s21+$0x0] =	vst.idx.msk $0xffff, v4;
	v4 =	vld [tilespmem:s3+$0xFFFFFE50]  }
0x152: {  	v6 =	vadd.s32 v61, v43;
	v7 =	vshrl.u32 v15, $0x3;
	[tilespmem:v9+s21+$0x0] =	vst.idx.msk $0xffff, v5;
	v5 =	vadd.s32 v25, v42;
	v9 =	vld [tilespmem:s3+$0xFFFFFE90]  }
0x153: {  	v41 =	vbroadcast v2, $0x0;
	v3 =	vshll.u32 v3, v1;
	v2 =	vshll.u32 v7, v1;
	v10 =	vld [tilespmem:s3+$0xFFFFFED0]  }
0x154: {  	v7 =	vadd.s32 v23, v44;
	v40 =	vbroadcast v0, $0x0;
	v0 =	vadd.f32 v13, v36;
	v11 =	vld [tilespmem:s3+$0xFFFFFF10]  }
0x155: {  	v37 =	vbroadcast v3, $0x0;
	v13 =	vadd.s32 v56, v41;
	v14 =	vld [tilespmem:s3+$0xFFFFFF50];
	v12 =	vadd.f32 v12, v36  }
0x156: {  	v38 =	vbroadcast v2, $0x0;
	[tilespmem:v8+s21+$0x0] =	vst.idx.msk $0xffff, v0;
	v15 =	vld [tilespmem:s3+$0xFFFFFF90];
	v3 =	vadd.f32 v4, v36;
	v4 =	vadd.s32 v57, v40  }
0x157: {  	v2 =	vadd.s32 v28, v37;
	[tilespmem:v5+s21+$0x0] =	vst.idx.msk $0xffff, v12;
	v0 =	vadd.f32 v9, v36;
	v5 =	vld [tilespmem:s3+$0xFFFFFFE0]  }
0x158: {  	v8 =	vld [tilespmem:s3+$0xFFFFFE20];
	[tilespmem:v6+s21+$0x0] =	vst.idx.msk $0xffff, v3;
	v3 =	vadd.f32 v10, v36;
	v6 =	vadd.s32 v32, v38  }
0x159: {  	[tilespmem:v7+s21+$0x0] =	vst.idx.msk $0xffff, v0;
	v0 =	vadd.f32 v11, v36;
	v11 =	vadd.s32 v53, v39;
	v12 =	vld [tilespmem:s3+$0xFFFFFE60]  }
0x15a: {  	v16 =	vadd.s32 v52, v42;
	v17 =	vld [tilespmem:s3+$0xFFFFFEA0];
	[tilespmem:v13+s21+$0x0] =	vst.idx.msk $0xffff, v3;
	v3 =	vadd.f32 v14, v36  }
0x15b: {  	s9 =	sadd.s32 $0x8, s9;
	v13 =	vadd.s32 v55, v43;
	v14 =	vld [tilespmem:s3+$0xFFFFFEE0];
	[tilespmem:v4+s21+$0x0] =	vst.idx.msk $0xffff, v0;
	v0 =	vadd.f32 v15, v36  }
0x15c: {  	p1 =	slt.u32 s9, $0x78;
	v19 =	vmov v60;
	v15 =	vadd.s32 v21, v44;
	v18 =	vld [tilespmem:s3+$0xFFFFFF20];
	[tilespmem:v2+s21+$0x0] =	vst.idx.msk $0xffff, v3;
	v2 =	vadd.f32 v5, v35  }
.Ltmp3:
0x15d: {  	v20 =	vmov v62;
	v9 =	vadd.s32 v60, v41;
	v3 =	vadd.f32 v8, v35;
	v10 =	vld [tilespmem:s3+$0xFFFFFF60];
	[tilespmem:v6+s21+$0x0] =	vst.idx.msk $0xffff, v0;
	(pc) =	sbr.rel @p1 .LBB2_5-.Ltmp3, $4  }
0x15e: {  	v62 =	vmov v58;
	v7 =	vadd.s32 v54, v40;
	v0 =	vadd.f32 v12, v35;
	v8 =	vld [tilespmem:s3+$0xFFFFFFA0];
	[tilespmem:v11+s21+$0x0] =	vst.idx.msk $0xffff, v2  }
0x15f: {  	v5 =	vadd.s32 v58, v37;
	[tilespmem:v16+s21+$0x0] =	vst.idx.msk $0xffff, v3;
	v16 =	vmov v45;
	v11 =	vadd.f32 v17, v35;
	v6 =	vld [tilespmem:s3+$0xFFFFFFF0]  }
0x160: {  	v2 =	vadd.s32 v45, v38;
	v4 =	vld [tilespmem:s3+$0xFFFFFE30];
	[tilespmem:v13+s21+$0x0] =	vst.idx.msk $0xffff, v0;
	v12 =	vadd.f32 v14, v35;
	v14 =	vmov v27  }
0x161: {  	[tilespmem:v15+s21+$0x0] =	vst.idx.msk $0xffff, v11;
	v15 =	vmov v59;
	v0 =	vadd.s32 v59, v39;
	v3 =	vld [tilespmem:s3+$0xFFFFFE70];
	v11 =	vadd.f32 v18, v35  }
0x162: {  	_ =	sdelay $0x3  }
0x163: {  	v13 =	vadd.s32 v14, v42;
	v14 =	vld [tilespmem:s3+$0xFFFFFEB0];
	[tilespmem:v9+s21+$0x0] =	vst.idx.msk $0xffff, v12;
	v62 =	vadd.f32 v10, v35  }
0x164: {  	v19 =	vmov v50;
	v36 =	vadd.s32 v63, v43;
	v12 =	vld [tilespmem:s3+$0xFFFFFEF0];
	[tilespmem:v7+s21+$0x0] =	vst.idx.msk $0xffff, v11;
	v50 =	vadd.f32 v8, v35  }
0x165: {  	v18 =	vmov v55;
	v52 =	vadd.s32 v24, v44;
	v11 =	vld [tilespmem:s3+$0xFFFFFF30];
	[tilespmem:v5+s21+$0x0] =	vst.idx.msk $0xffff, v62;
	v55 =	vadd.f32 v6, v34  }
0x166: {  	v17 =	vmov v56;
	v56 =	vadd.s32 v20, v41;
	v4 =	vadd.f32 v4, v34;
	v9 =	vld [tilespmem:s3+$0xFFFFFF70];
	[tilespmem:v2+s21+$0x0] =	vst.idx.msk $0xffff, v50  }
0x167: {  	v2 =	vadd.f32 v3, v34;
	v3 =	vadd.s32 v49, v40;
	v7 =	vld [tilespmem:s3+$0xFFFFFFB0];
	[tilespmem:v0+s21+$0x0] =	vst.idx.msk $0xffff, v55  }
0x168: {  	v62 =	vadd.s32 v46, v37;
	[tilespmem:v13+s21+$0x0] =	vst.idx.msk $0xffff, v4;
	v0 =	vadd.f32 v14, v34;
	v5 =	vld [tilespmem:s3+$0x0]  }
0x169: {  	v63 =	vadd.s32 v22, v38;
	v13 =	vld [tilespmem:s3+$0xFFFFFE40];
	[tilespmem:v36+s21+$0x0] =	vst.idx.msk $0xffff, v2;
	v2 =	vadd.f32 v12, v34  }
0x16a: {  	v36 =	vadd.s32 v51, v39;
	v35 =	vld [tilespmem:s3+$0xFFFFFE80];
	[tilespmem:v52+s21+$0x0] =	vst.idx.msk $0xffff, v0;
	v0 =	vadd.f32 v11, v34  }
0x16b: {  	v39 =	vadd.s32 v29, v42;
	[tilespmem:v56+s21+$0x0] =	vst.idx.msk $0xffff, v2;
	v2 =	vadd.f32 v9, v34  }
0x16c: {  	v49 =	vadd.s32 v47, v43;
	[tilespmem:v3+s21+$0x0] =	vst.idx.msk $0xffff, v0;
	v0 =	vadd.f32 v7, v34  }
0x16d: {  	[tilespmem:v62+s21+$0x0] =	vst.idx.msk $0xffff, v2;
	v2 =	vadd.f32 v5, v33  }
0x16e: {  	v42 =	vld [tilespmem:s3+$0xFFFFFEC0];
	v52 =	vadd.f32 v13, v33;
	[tilespmem:v63+s21+$0x0] =	vst.idx.msk $0xffff, v0  }
0x16f: {  	v0 =	vadd.f32 v35, v33;
	v10 =	vld [tilespmem:$0x1FE20];
	[tilespmem:v36+s21+$0x0] =	vst.idx.msk $0xffff, v2  }
0x170: {  	v50 =	vld [tilespmem:s3+$0xFFFFFF00];
	[tilespmem:v39+s21+$0x0] =	vst.idx.msk $0xffff, v52  }
0x171: {  	v4 =	vld [tilespmem:$0x1FE30];
	[tilespmem:v49+s21+$0x0] =	vst.idx.msk $0xffff, v0  }
0x172: {  	v6 =	vld [tilespmem:$0x1FE40]  }
0x173: {  	v3 =	vadd.s32 v26, v44;
	v51 =	vld [tilespmem:s3+$0xFFFFFF40]  }
0x174: {  	v55 =	vadd.s32 v48, v41;
	v62 =	vld [tilespmem:s3+$0xFFFFFF80]  }
0x175: {  	v63 =	vld [tilespmem:s3+$0xFFFFFFC0];
	v10 =	vadd.s32 v10, v40  }
0x176: {  	v2 =	vadd.f32 v42, v33;
	v4 =	vadd.s32 v4, v37  }
0x177: {  	v0 =	vadd.f32 v50, v33;
	v6 =	vadd.s32 v6, v38  }
0x178: {  	s18 =	sshll.u32 s30, $0x8;
	s31 =	sshll.u32 s31, $0xF;
	[tilespmem:v3+s21+$0x0] =	vst.idx.msk $0xffff, v2;
	v2 =	vadd.f32 v51, v33  }
0x179: {  	s3 =	sor.u32 s31, s18;
	[tilespmem:v55+s21+$0x0] =	vst.idx.msk $0xffff, v0;
	v0 =	vadd.f32 v62, v33  }
0x17a: {  	s3 =	sor.u32 s4, s3;
	[tilespmem:v10+s21+$0x0] =	vst.idx.msk $0xffff, v2;
	v2 =	vadd.f32 v63, v33  }
0x17b: {  	s3 =	sshrl.u32 s3, $0x3;
	[tilespmem:v4+s21+$0x0] =	vst.idx.msk $0xffff, v0  }
0x17c: {  	s5 =	simm.s32 $0x11600;
	s9 =	simm.s32 $0x420;
	s3 =	sadd.s32 s1, s3;
	[tilespmem:v6+s21+$0x0] =	vst.idx.msk $0xffff, v2  }
0x17d: {  	v56 =	vmov v47;
	v47 =	vmov v46;
	v46 =	vmov v22;
	[hbm4b:s3+s2] =	stream.linear.scatter [tilespmem:s5], [sflag:$0x3], $0x100, $0x38;
	[tilespmem:$0x19A00] =	vst v63  }
.LBB2_7:
0x17e: {  	p1 =	sne.s32 s9, $0x103E0  }
.Ltmp4:
0x17f: {  	_ = 	snop;
	(pc) =	sbr.rel @p1 .LBB2_7-.Ltmp4, $4  }
0x180: {  	_ = 	snop  }
0x181: {  	s5 =	sshra.s32 s9, $0x2;
	s9 =	sadd.s32 $0x420, s9  }
0x182: {  	s3 =	sadd.s32 $0x19000, s3;
	s5 =	sadd.s32 $0x11600, s5  }
0x183: {  	[hbm4b:s3+s2] =	stream.linear.scatter [tilespmem:s5], [sflag:$0x3], $0x100, $0x38;
	[tilespmem:$0x19A00] =	vst v63  }
0x184: {  	p1 =	seq.s32 s28, $0x31  }
0x185: {  	s3 =	sshll.u32 @!p1 s29, $0x8  }
0x186: {  	s3 =	sadd.s32 @!p1 $0x200, s3  }
0x187: {  	s5 =	simm.s32 @!p1 $0x80;
	s7 =	simm.s32 @!p1 $0x9600;
	s3 =	sand.u32 @!p1 $0xFE00, s3  }
0x188: {  	[tilespmem:s7], [sflag:$0x1] =	stream.indirect.gather @!p1 [hbm4b:s6+s5], $0x40, s3, s5, $0xb8;
	[tilespmem:$0x19A00] =	vst v63  }
0x189: {  	s3 =	sor.u32 @!p1 $0x80, s3;
	s7 =	simm.s32 @!p1 $0xB600  }
0x18a: {  	[tilespmem:s7], [sflag:$0x1] =	stream.indirect.gather @!p1 [hbm4b:s6+s5], $0x40, s3, s5, $0xb8;
	[tilespmem:$0x19A00] =	vst v63  }
0x18b: {  	_ =	swait.ge [sflag:s22], $0x2000  }
0x18c: {  	[sflag:s22] =	ssyncset.done $0x0  }
0x18d: {  	[sflag:s22] =	ssyncadd.s32 $0xFFFFE000  }
0x18e: {  	_ =	swait.ge [sflag:s22], $0x2000  }
0x18f: {  	[sflag:s22] =	ssyncset.done $0x0  }
0x190: {  	s30 =	sor.u32 $0x1, s30;
	s3 =	simm.s32 @!p0 $0x4;
	[sflag:s22] =	ssyncadd.s32 $0xFFFFE000  }
0x191: {  	s12 =	simm.s32 $0x1;
	s7 =	simm.s32 $0x4;
	_ =	swait.ge @!p0 [sflag:s3], $0x4000  }
0x192: {  	s9 =	simm.s32 $0x2;
	s15 =	sshll.u32 s30, $0x7;
	v5 =	vmov s12;
	v3 =	vmov s7;
	[sflag:s3] =	ssyncset.done @!p0 $0x0  }
0x193: {  	v6 =	vmov s9;
	v5 =	vshrl.u32 v5, $0x3;
	v3 =	vshrl.u32 v3, $0x3;
	[sflag:s3] =	ssyncadd.s32 @!p0 $0xFFFFC000;
	s3 =	sadd.s32 s15, s0  }
0x194: {  	s9 =	simm.s32 $0xD700;
	v6 =	vshrl.u32 v6, $0x3;
	v5 =	vshll.u32 v5, v1;
	v3 =	vshll.u32 v3, v1;
	v36 =	vld [tilespmem:s3+$0x6400]  }
0x195: {  	s14 =	simm.s32 $0x3;
	v6 =	vshll.u32 v6, v1;
	v5 =	vbroadcast v5, $0x0;
	v44 =	vbroadcast v3, $0x0;
	v7 =	vld [tilespmem:s9+$0x0]  }
0x196: {  	v37 =	vbroadcast v6, $0x0;
	v3 =	vmov s14  }
0x197: {  	v12 =	vadd.s32 v56, v5;
	v3 =	vshrl.u32 v3, $0x3;
	v6 =	vadd.s32 v57, v44;
	v8 =	vld [tilespmem:s9+$0xFFFFFF40]  }
0x198: {  	s16 =	simm.s32 $0x0;
	v3 =	vshll.u32 v3, v1;
	v9 =	vld [tilespmem:s9+$0xFFFFFF80];
	[tilespmem:$0x1FD60] =	vst v12  }
0x199: {  	s18 =	simm.s32 $0x7;
	v0 =	vmov s16;
	v10 =	vadd.s32 v61, v5;
	v29 =	vbroadcast v3, $0x0;
	v11 =	vld [tilespmem:s9+$0xFFFFFFC0]  }
0x19a: {  	s11 =	simm.s32 $0x5;
	v2 =	vmov s18;
	v35 =	vld [tilespmem:s3+$0x6410];
	v12 =	vadd.s32 v23, v37;
	v7 =	vadd.f32 v7, v36  }
0x19b: {  	v39 =	vmovc v17;
	v4 =	vmov s11;
	v0 =	vshrl.u32 v0, $0x3;
	v15 =	vadd.s32 v17, v29;
	v34 =	vld [tilespmem:s3+$0x6420]  }
0x19c: {  	v2 =	vshrl.u32 v2, $0x3;
	v17 =	vshll.u32 v0, v1;
	v33 =	vld [tilespmem:s3+$0x6430];
	v0 =	vadd.f32 v8, v36;
	[tilespmem:v6+s23+$0x0] =	vst.idx.msk $0xffff, v7  }
0x19d: {  	v4 =	vshrl.u32 v4, $0x3;
	v2 =	vshll.u32 v2, v1;
	v9 =	vadd.f32 v9, v36;
	v6 =	vld [tilespmem:s9+$0x10]  }
0x19e: {  	v4 =	vshll.u32 v4, v1;
	v13 =	vld [tilespmem:s9+$0xC0];
	[tilespmem:v10+s23+$0x0] =	vst.idx.msk $0xffff, v0;
	v7 =	vadd.f32 v11, v36  }
0x19f: {  	v55 =	vbroadcast v4, $0x0;
	v50 =	vbroadcast v2, $0x0;
	s15 =	simm.s32 $0x6;
	[tilespmem:v12+s23+$0x0] =	vst.idx.msk $0xffff, v9;
	v4 =	vld [tilespmem:s9+$0xFFFFFF50]  }
0x1a0: {  	v40 =	vmovc v54;
	v14 =	vmov s15;
	v11 =	vadd.s32 v54, v44;
	v54 =	vbroadcast v17, $0x0;
	v10 =	vld [tilespmem:s9+$0xFFFFFF90];
	[tilespmem:v15+s23+$0x0] =	vst.idx.msk $0xffff, v7  }
0x1a1: {  	v63 =	vmov v18;
	v8 =	vshrl.u32 v14, $0x3;
	v9 =	vadd.s32 v18, v5;
	v51 =	vld [tilespmem:$0x1FE70]  }
0x1a2: {  	v15 =	vadd.s32 v19, v50;
	v18 =	vadd.s32 v25, v54;
	v19 =	vadd.f32 v6, v35;
	v6 =	vmovc v25;
	v25 =	vld [tilespmem:$0x1FE90]  }
0x1a3: {  	v3 =	vld [tilespmem:s9+$0xFFFFFF00];
	v8 =	vshll.u32 v8, v1  }
0x1a4: {  	v16 =	vld [tilespmem:s9+$0x80];
	v52 =	vbroadcast v8, $0x0;
	v0 =	vadd.s32 v58, v55;
	v17 =	vadd.s32 v21, v37  }
0x1a5: {  	v14 =	vld [tilespmem:s9+$0x40];
	v8 =	vadd.f32 v13, v36;
	[tilespmem:$0x1FD40] =	vst v0;
	v0 =	vadd.s32 v20, v29  }
0x1a6: {  	v7 =	vadd.s32 v32, v52;
	v13 =	vld [tilespmem:s9+$0xFFFFFFD0];
	[tilespmem:$0x1FD70] =	vst v0;
	v20 =	vadd.f32 v4, v35;
	v0 =	vadd.s32 v51, v54  }
0x1a7: {  	v4 =	vadd.f32 v10, v35;
	[tilespmem:$0x1FD50] =	vst v0;
	v25 =	vadd.s32 v25, v5;
	v5 =	vadd.s32 v47, v55  }
0x1a8: {  	[tilespmem:$0x1FD90] =	vst v5  }
0x1a9: {  	s0 =	simm.s32 $0xD900;
	[tilespmem:v17+s23+$0x0] =	vst.idx.msk $0xffff, v4;
	v4 =	vadd.s32 v46, v52  }
0x1aa: {  	v16 =	vadd.f32 v16, v36;
	v42 =	vld [tilespmem:s0+$0xFFFFFF40];
	v17 =	vadd.s32 v27, v54;
	[tilespmem:$0x1FD80] =	vst v4  }
0x1ab: {  	v24 =	vadd.s32 v28, v55;
	v41 =	vadd.s32 v31, v37;
	[tilespmem:$0x1FDA0] =	vst v17  }
0x1ac: {  	s11 =	simm.s32 $0x9;
	v22 =	vadd.s32 v60, v29;
	v12 =	vmov v32;
	v21 =	vadd.s32 v45, v52;
	v49 =	vld [tilespmem:$0x1FFA0];
	[tilespmem:v7+s23+$0x0] =	vst.idx.msk $0xffff, v16  }
0x1ad: {  	v32 =	vmovc v53;
	v10 =	vadd.s32 v53, v50;
	v53 =	vmovc v46;
	v5 =	vadd.s32 v59, v50;
	v59 =	vmov s11;
	v46 =	vld [tilespmem:s9+$0x90]  }
0x1ae: {  	s12 =	simm.s32 $0xC;
	v2 =	vmovc v45;
	s14 =	simm.s32 $0xA;
	v45 =	vmovc v39;
	v14 =	vadd.f32 v14, v36;
	v13 =	vadd.f32 v13, v35;
	v39 =	vshrl.u32 v59, $0x3  }
0x1af: {  	v39 =	vshll.u32 v39, v1;
	v38 =	vld [tilespmem:s9+$0xFFFFFFA0];
	v7 =	vmov s12;
	v16 =	vmov s14;
	[tilespmem:v9+s23+$0x0] =	vst.idx.msk $0xffff, v20  }
0x1b0: {  	s18 =	simm.s32 $0xF;
	[tilespmem:v24+s23+$0x0] =	vst.idx.msk $0xffff, v14;
	v20 =	vbroadcast v39, $0x0;
	v16 =	vshrl.u32 v16, $0x3;
	v7 =	vshrl.u32 v7, $0x3  }
0x1b1: {  	v62 =	vmovc v58;
	v58 =	vmov s18;
	[tilespmem:v11+s23+$0x0] =	vst.idx.msk $0xffff, v19;
	v14 =	vshll.u32 v16, v1;
	v16 =	vld [tilespmem:s9+$0xFFFFFF60];
	v7 =	vshll.u32 v7, v1  }
0x1b2: {  	v26 =	vld [tilespmem:s0+$0xFFFFFF80];
	[tilespmem:v15+s23+$0x0] =	vst.idx.msk $0xffff, v8;
	v24 =	vadd.s32 v61, v20;
	v39 =	vbroadcast v14, $0x0;
	v15 =	vadd.f32 v46, v35  }
0x1b3: {  	v3 =	vadd.f32 v3, v36;
	v27 =	vmovc v40;
	v19 =	vshrl.u32 v58, $0x3;
	v58 =	vld [tilespmem:s0+$0x0];
	[tilespmem:v22+s23+$0x0] =	vst.idx.msk $0xffff, v13;
	v40 =	vbroadcast v7, $0x0  }
0x1b4: {  	v48 =	vmov v57;
	v14 =	vadd.f32 v38, v34;
	v22 =	vadd.s32 v23, v39;
	[tilespmem:v21+s23+$0x0] =	vst.idx.msk $0xffff, v15;
	v21 =	vld [tilespmem:s9+$0xD0]  }
0x1b5: {  	[tilespmem:v18+s23+$0x0] =	vst.idx.msk $0xffff, v3;
	v8 =	vadd.s32 v48, v40;
	v46 =	vadd.f32 v42, v36  }
0x1b6: {  	[tilespmem:v41+s23+$0x0] =	vst.idx.msk $0xffff, v14;
	v16 =	vadd.f32 v16, v34  }
0x1b7: {  	v3 =	vadd.f32 v26, v36;
	[tilespmem:v24+s23+$0x0] =	vst.idx.msk $0xffff, v46  }
0x1b8: {  	[tilespmem:v25+s23+$0x0] =	vst.idx.msk $0xffff, v16;
	v25 =	vadd.f32 v58, v36  }
0x1b9: {  	[tilespmem:v22+s23+$0x0] =	vst.idx.msk $0xffff, v3;
	v3 =	vadd.f32 v21, v35  }
0x1ba: {  	[tilespmem:v8+s23+$0x0] =	vst.idx.msk $0xffff, v25  }
0x1bb: {  	[tilespmem:v10+s23+$0x0] =	vst.idx.msk $0xffff, v3  }
0x1bc: {  	v10 =	vld [tilespmem:$0x1FD40]  }
0x1bd: {  	v11 =	vld [tilespmem:s9+$0x50]  }
0x1be: {  	v16 =	vld [tilespmem:s9+$0x20];
	_ =	sdelay $0x1  }
0x1bf: {  	s16 =	simm.s32 $0x8;
	v17 =	vadd.s32 v49, v44  }
0x1c0: {  	v43 =	vmov s16;
	v7 =	vld [tilespmem:s0+$0xFFFFFF00]  }
0x1c1: {  	v0 =	vmov v28;
	v13 =	vshrl.u32 v43, $0x3;
	v43 =	vld [tilespmem:s0+$0xC0];
	v11 =	vadd.f32 v11, v35  }
0x1c2: {  	s16 =	simm.s32 $0xB;
	s18 =	simm.s32 $0xE;
	v3 =	vadd.f32 v16, v34  }
0x1c3: {  	v59 =	vmov s16;
	v15 =	vmov s18;
	[tilespmem:v10+s23+$0x0] =	vst.idx.msk $0xffff, v11  }
0x1c4: {  	v4 =	vmovc v0;
	v0 =	vmov v32;
	v41 =	vshrl.u32 v59, $0x3;
	v15 =	vshrl.u32 v15, $0x3;
	v32 =	vld [tilespmem:$0x1FE20];
	[tilespmem:v17+s23+$0x0] =	vst.idx.msk $0xffff, v3  }
0x1c5: {  	v48 =	vadd.f32 v7, v36;
	v7 =	vshll.u32 v15, v1;
	v15 =	vshll.u32 v41, v1;
	v3 =	vld [tilespmem:$0x1FF20]  }
0x1c6: {  	v26 =	vmov v49;
	v49 =	vadd.f32 v43, v36;
	v43 =	vbroadcast v15, $0x0  }
0x1c7: {  	v19 =	vshll.u32 v19, v1  }
0x1c8: {  	v8 =	vadd.s32 v45, v43;
	v45 =	vbroadcast v19, $0x0;
	_ =	sdelay $0x1  }
0x1c9: {  	v23 =	vmov v53;
	v53 =	vadd.s32 v3, v45;
	v3 =	vld [tilespmem:$0x1FD50]  }
0x1ca: {  	v18 =	vld [tilespmem:s9+$0xFFFFFF10];
	_ =	sdelay $0x4  }
0x1cb: {  	v11 =	vadd.f32 v18, v35  }
0x1cc: {  	v61 =	vld [tilespmem:s0+$0xFFFFFFC0]  }
0x1cd: {  	[tilespmem:v3+s23+$0x0] =	vst.idx.msk $0xffff, v11  }
0x1ce: {  	s15 =	simm.s32 $0xD;
	v3 =	vld [tilespmem:$0x1FFF0]  }
0x1cf: {  	v9 =	vmov s15;
	v14 =	vld [tilespmem:s0+$0x40];
	v41 =	vbroadcast v7, $0x0  }
0x1d0: {  	v9 =	vshrl.u32 v9, $0x3  }
0x1d1: {  	v9 =	vshll.u32 v9, v1;
	v59 =	vadd.s32 v12, v41;
	v12 =	vadd.f32 v61, v36  }
0x1d2: {  	v42 =	vbroadcast v9, $0x0;
	v10 =	vld [tilespmem:s9+$0xE0]  }
0x1d3: {  	v46 =	vadd.s32 v3, v43;
	v3 =	vld [tilespmem:$0x1FF60];
	[tilespmem:v8+s23+$0x0] =	vst.idx.msk $0xffff, v12  }
0x1d4: {  	v57 =	vmov v47;
	v47 =	vadd.s32 v62, v42;
	v62 =	vadd.f32 v14, v36;
	v14 =	vld [tilespmem:$0x1FD60]  }
0x1d5: {  	v7 =	vld [tilespmem:s9+$0xFFFFFF70];
	_ =	sdelay $0x3  }
0x1d6: {  	v10 =	vadd.f32 v10, v34  }
0x1d7: {  	v13 =	vshll.u32 v13, v1;
	v7 =	vadd.f32 v7, v33  }
0x1d8: {  	v18 =	vadd.s32 v32, v44;
	v44 =	vbroadcast v13, $0x0;
	v13 =	vld [tilespmem:$0x1FE30];
	[tilespmem:v5+s23+$0x0] =	vst.idx.msk $0xffff, v10  }
0x1d9: {  	[tilespmem:v14+s23+$0x0] =	vst.idx.msk $0xffff, v7  }
0x1da: {  	v5 =	vld [tilespmem:$0x1FD70]  }
0x1db: {  	v16 =	vld [tilespmem:s9+$0xFFFFFFE0];
	_ =	sdelay $0x2  }
0x1dc: {  	v58 =	vld [tilespmem:s9+$0xFFFFFFB0];
	_ =	sdelay $0x1  }
0x1dd: {  	v60 =	vld [tilespmem:s0+$0x80];
	v14 =	vadd.f32 v16, v34  }
0x1de: {  	v9 =	vld [tilespmem:s9+$0xA0]  }
0x1df: {  	v15 =	vld [tilespmem:s0+$0x10];
	[tilespmem:v5+s23+$0x0] =	vst.idx.msk $0xffff, v14  }
0x1e0: {  	v61 =	vadd.f32 v58, v33;
	v58 =	vadd.s32 v2, v41;
	v2 =	vld [tilespmem:$0x1FEC0];
	_ =	sdelay $0x3  }
0x1e1: {  	v8 =	vadd.f32 v60, v36;
	v60 =	vadd.s32 v13, v55  }
0x1e2: {  	v13 =	vadd.f32 v15, v35;
	v15 =	vadd.f32 v9, v34;
	v9 =	vadd.s32 v2, v29;
	v29 =	vmovc v2;
	v2 =	vld [tilespmem:$0x1FF80];
	_ =	sdelay $0x4  }
0x1e3: {  	v25 =	vadd.s32 v63, v20;
	v63 =	vadd.s32 v2, v43;
	v2 =	vld [tilespmem:$0x1FD80];
	_ =	sdelay $0x7  }
0x1e4: {  	[tilespmem:v2+s23+$0x0] =	vst.idx.msk $0xffff, v15  }
0x1e5: {  	v38 =	vadd.s32 v56, v20;
	v56 =	vadd.s32 v0, v45;
	v0 =	vld [tilespmem:$0x1FD90]  }
0x1e6: {  	v11 =	vld [tilespmem:s9+$0x60];
	_ =	sdelay $0x4  }
0x1e7: {  	v10 =	vadd.f32 v11, v34  }
0x1e8: {  	v17 =	vld [tilespmem:s0+$0xFFFFFF50]  }
0x1e9: {  	v5 =	vld [tilespmem:$0x1FE60];
	[tilespmem:v0+s23+$0x0] =	vst.idx.msk $0xffff, v10  }
0x1ea: {  	v0 =	vld [tilespmem:$0x1FE40];
	_ =	sdelay $0x1  }
0x1eb: {  	v12 =	vld [tilespmem:s9+$0x30]  }
0x1ec: {  	v19 =	vadd.f32 v17, v35;
	v17 =	vld [tilespmem:s9+$0xFFFFFF20]  }
0x1ed: {  	v7 =	vld [tilespmem:s0+$0xFFFFFF90]  }
0x1ee: {  	v21 =	vadd.s32 v27, v40;
	v27 =	vmov v0;
	v10 =	vadd.s32 v0, v52;
	v0 =	vld [tilespmem:$0x1FE80]  }
0x1ef: {  	v2 =	vld [tilespmem:s9+$0xF0]  }
0x1f0: {  	v12 =	vadd.f32 v12, v33;
	_ =	sdelay $0x1  }
0x1f1: {  	v14 =	vadd.f32 v7, v35;
	[tilespmem:v18+s23+$0x0] =	vst.idx.msk $0xffff, v12  }
0x1f2: {  	v28 =	vmov v5;
	v11 =	vadd.s32 v5, v50;
	v5 =	vadd.s32 v0, v54;
	v0 =	vld [tilespmem:$0x1FE90];
	[tilespmem:v21+s23+$0x0] =	vst.idx.msk $0xffff, v13  }
0x1f3: {  	v7 =	vadd.f32 v17, v34;
	v17 =	vadd.f32 v2, v33;
	v2 =	vld [tilespmem:$0x1FE50];
	_ =	sdelay $0x4  }
0x1f4: {  	v52 =	vadd.s32 v2, v45;
	v2 =	vld [tilespmem:$0x1FDA0];
	_ =	sdelay $0x1  }
0x1f5: {  	v16 =	vld [tilespmem:s0+$0xFFFFFFD0];
	_ =	sdelay $0x3  }
0x1f6: {  	v3 =	vadd.s32 v3, v39;
	v55 =	vadd.s32 v6, v44;
	v15 =	vld [tilespmem:s9+$0xFFFFFFF0]  }
0x1f7: {  	v6 =	vadd.f32 v16, v35;
	v16 =	vadd.s32 v4, v42;
	v4 =	vadd.s32 v31, v39;
	v12 =	vld [tilespmem:s9+$0xB0]  }
0x1f8: {  	v50 =	vadd.s32 v57, v42;
	v54 =	vadd.s32 v51, v44;
	[tilespmem:v2+s23+$0x0] =	vst.idx.msk $0xffff, v7;
	v2 =	vld [tilespmem:s9+$0x70]  }
0x1f9: {  	s3 =	sadd.s32 $0x6400, s3;
	s11 =	simm.s32 $0x10;
	s12 =	simm.s32 $0xDB00;
	v51 =	vadd.s32 v23, v41;
	v0 =	vadd.s32 v0, v20;
	[tilespmem:v25+s23+$0x0] =	vst.idx.msk $0xffff, v19;
	v13 =	vld [tilespmem:s9+$0xFFFFFF30]  }
.LBB2_9:
0x1fa: {  	_ =	sdelay $0x1  }
0x1fb: {  	s7 =	smov.u32 s11;
	[tilespmem:v59+s23+$0x0] =	vst.idx.msk $0xffff, v8  }
0x1fc: {  	v18 =	vld [tilespmem:s12+$0xFFFFFF40];
	[tilespmem:v3+s23+$0x0] =	vst.idx.msk $0xffff, v14;
	s16 =	sadd.s32 $0x2, s7  }
0x1fd: {  	[tilespmem:v11+s23+$0x0] =	vst.idx.msk $0xffff, v17;
	v8 =	vld [tilespmem:s12+$0x80];
	v17 =	vmov s16;
	v3 =	vadd.f32 v15, v33  }
0x1fe: {  	v22 =	vadd.s32 v30, v37;
	[tilespmem:v16+s23+$0x0] =	vst.idx.msk $0xffff, v62;
	v21 =	vld [tilespmem:s0+$0xFFFFFFA0];
	v16 =	vshrl.u32 v17, $0x3;
	v13 =	vadd.f32 v13, v33  }
0x1ff: {  	v19 =	vmov s7;
	v12 =	vadd.f32 v12, v33;
	[tilespmem:v9+s23+$0x0] =	vst.idx.msk $0xffff, v3;
	v9 =	vshll.u32 v16, v1;
	v16 =	vld [tilespmem:s0+$0x90]  }
0x200: {  	[tilespmem:v5+s23+$0x0] =	vst.idx.msk $0xffff, v13;
	v13 =	vshrl.u32 v19, $0x3;
	v19 =	vld [tilespmem:$0x1FED0]  }
0x201: {  	[tilespmem:v10+s23+$0x0] =	vst.idx.msk $0xffff, v12;
	v12 =	vld [tilespmem:s0+$0xFFFFFF60]  }
0x202: {  	v7 =	vld [tilespmem:$0x1FEE0];
	s14 =	sadd.s32 $0x4, s7;
	v3 =	vadd.f32 v2, v33  }
0x203: {  	v37 =	vmov v39;
	v14 =	vmov s14;
	v23 =	vld [tilespmem:s12+$0xFFFFFF80];
	[tilespmem:v22+s23+$0x0] =	vst.idx.msk $0xffff, v61;
	v39 =	vbroadcast v9, $0x0  }
0x204: {  	v17 =	vld [tilespmem:s0+$0x50];
	v10 =	vshrl.u32 v14, $0x3;
	[tilespmem:v60+s23+$0x0] =	vst.idx.msk $0xffff, v3  }
0x205: {  	v24 =	vld [tilespmem:s0+$0x20];
	v3 =	vshll.u32 v10, v1;
	v10 =	vadd.f32 v21, v34;
	v19 =	vadd.s32 v19, v39  }
0x206: {  	v59 =	vld [tilespmem:$0x1FFD0];
	[tilespmem:v63+s23+$0x0] =	vst.idx.msk $0xffff, v6;
	v12 =	vadd.f32 v12, v34  }
0x207: {  	s18 =	sadd.s32 $0x1, s7;
	v6 =	vld [tilespmem:$0x1FEF0];
	[tilespmem:v4+s23+$0x0] =	vst.idx.msk $0xffff, v10  }
0x208: {  	v11 =	vmov s18;
	v60 =	vld [tilespmem:s12+$0x0];
	[tilespmem:v0+s23+$0x0] =	vst.idx.msk $0xffff, v12;
	v12 =	vadd.f32 v23, v36  }
0x209: {  	s9 =	sadd.s32 $0x6, s7;
	v11 =	vshrl.u32 v11, $0x3;
	v0 =	vld [tilespmem:s0+$0xFFFFFFB0]  }
0x20a: {  	s5 =	sadd.s32 $0x7, s11;
	v3 =	vbroadcast v3, $0x0;
	v4 =	vadd.f32 v18, v36;
	v18 =	vmov s9;
	[tilespmem:v19+s23+$0x0] =	vst.idx.msk $0xffff, v12;
	v19 =	vld [tilespmem:$0x1FF30]  }
0x20b: {  	v62 =	vld [tilespmem:$0x1FEA0];
	v20 =	vmov s5;
	v2 =	vshll.u32 v11, v1;
	v18 =	vshrl.u32 v18, $0x3  }
0x20c: {  	v25 =	vld [tilespmem:s12+$0xC0];
	v2 =	vbroadcast v2, $0x0;
	v6 =	vadd.s32 v6, v3;
	v18 =	vshll.u32 v18, v1  }
0x20d: {  	v57 =	vadd.s32 v7, v44;
	v11 =	vshrl.u32 v20, $0x3;
	v14 =	vld [tilespmem:$0x1FFE0];
	v18 =	vbroadcast v18, $0x0  }
0x20e: {  	v7 =	vadd.s32 v26, v40;
	v5 =	vld [tilespmem:s12+$0xFFFFFF00];
	v11 =	vshll.u32 v11, v1;
	v20 =	vadd.s32 v59, v2  }
0x20f: {  	[tilespmem:v55+s23+$0x0] =	vst.idx.msk $0xffff, v48;
	v21 =	vadd.f32 v60, v36;
	v59 =	vadd.s32 v19, v18;
	v19 =	vbroadcast v11, $0x0;
	v11 =	vld [tilespmem:$0x1FF40]  }
0x210: {  	v55 =	vld [tilespmem:s0+$0xFFFFFF10]  }
0x211: {  	v24 =	vadd.f32 v24, v34;
	v9 =	vld [tilespmem:s12+$0x40];
	[tilespmem:v6+s23+$0x0] =	vst.idx.msk $0xffff, v21  }
0x212: {  	s15 =	sadd.s32 $0x5, s7;
	[tilespmem:v53+s23+$0x0] =	vst.idx.msk $0xffff, v49;
	v12 =	vld [tilespmem:s12+$0x10]  }
0x213: {  	v15 =	vmov s15;
	[tilespmem:v7+s23+$0x0] =	vst.idx.msk $0xffff, v24;
	v24 =	vld [tilespmem:$0x1FE30]  }
0x214: {  	s7 =	sadd.s32 $0x3, s7;
	v49 =	vadd.f32 v25, v36;
	v16 =	vadd.f32 v16, v35;
	v25 =	vadd.s32 v11, v3;
	v11 =	vld [tilespmem:$0x1FF70]  }
0x215: {  	v61 =	vmov s7;
	v15 =	vshrl.u32 v15, $0x3;
	v10 =	vld [tilespmem:s12+$0xFFFFFFC0]  }
0x216: {  	v22 =	vshrl.u32 v61, $0x3;
	v15 =	vshll.u32 v15, v1;
	v5 =	vadd.f32 v5, v36;
	[tilespmem:v58+s23+$0x0] =	vst.idx.msk $0xffff, v16;
	v16 =	vld [tilespmem:s0+$0xD0]  }
0x217: {  	v22 =	vshll.u32 v22, v1;
	v14 =	vadd.s32 v14, v2;
	v23 =	vld [tilespmem:s0+$0xFFFFFF70];
	v6 =	vbroadcast v15, $0x0  }
0x218: {  	v17 =	vadd.f32 v17, v35;
	v48 =	vmovc v5;
	v5 =	vbroadcast v22, $0x0;
	v22 =	vadd.s32 v32, v40;
	v40 =	vmovc v3;
	v3 =	vld [tilespmem:$0x1FF50]  }
0x219: {  	v60 =	vadd.s32 v24, v42;
	v42 =	vmov v6;
	v11 =	vadd.s32 v11, v6;
	v6 =	vld [tilespmem:$0x1FFB0]  }
0x21a: {  	[tilespmem:v47+s23+$0x0] =	vst.idx.msk $0xffff, v17;
	v15 =	vld [tilespmem:s0+$0xA0]  }
0x21b: {  	v13 =	vshll.u32 v13, v1;
	v16 =	vadd.f32 v16, v35;
	v7 =	vld [tilespmem:s0+$0x60]  }
0x21c: {  	v13 =	vbroadcast v13, $0x0;
	[tilespmem:v14+s23+$0x0] =	vst.idx.msk $0xffff, v4;
	v4 =	vadd.f32 v10, v36;
	v10 =	vld [tilespmem:s0+$0xFFFFFFE0];
	v21 =	vadd.s32 v62, v2  }
0x21d: {  	v14 =	vld [tilespmem:s12+$0xFFFFFF50];
	v62 =	vadd.f32 v9, v36;
	v9 =	vadd.f32 v55, v35;
	[tilespmem:v56+s23+$0x0] =	vst.idx.msk $0xffff, v16  }
0x21e: {  	v16 =	vadd.s32 v3, v5;
	v3 =	vld [tilespmem:$0x1FFF0];
	v55 =	vadd.s32 v6, v13;
	v6 =	vadd.f32 v23, v33  }
0x21f: {  	v61 =	vadd.f32 v0, v33;
	v0 =	vadd.f32 v15, v34;
	v47 =	vmov v11;
	v11 =	vld [tilespmem:s0+$0x30]  }
0x220: {  	[tilespmem:v38+s23+$0x0] =	vst.idx.msk $0xffff, v6;
	v6 =	vadd.f32 v7, v34;
	v7 =	vld [tilespmem:$0x1FEB0]  }
0x221: {  	[tilespmem:v51+s23+$0x0] =	vst.idx.msk $0xffff, v0;
	v0 =	vld [tilespmem:$0x1FF90];
	_ =	sdelay $0x1  }
0x222: {  	v63 =	vld [tilespmem:$0x1FF20];
	[tilespmem:v54+s23+$0x0] =	vst.idx.msk $0xffff, v9;
	v9 =	vadd.s32 v29, v43  }
0x223: {  	v43 =	vmov v5;
	v10 =	vadd.f32 v10, v34;
	v56 =	vadd.s32 v3, v5;
	[tilespmem:v16+s23+$0x0] =	vst.idx.msk $0xffff, v4;
	v5 =	vld [tilespmem:$0x1FF80]  }
0x224: {  	v16 =	vld [tilespmem:s12+$0xFFFFFFD0];
	v58 =	vadd.s32 v7, v18;
	v7 =	vadd.f32 v11, v33;
	v11 =	vadd.s32 v28, v45;
	v45 =	vmovc v19  }
0x225: {  	[tilespmem:v46+s23+$0x0] =	vst.idx.msk $0xffff, v10;
	v46 =	vmov v56;
	v56 =	vadd.s32 v0, v45;
	v0 =	vld [tilespmem:$0x1FE80];
	_ =	sdelay $0x4  }
0x226: {  	v53 =	vadd.s32 v63, v19;
	v63 =	vadd.s32 v5, v43;
	v5 =	vadd.s32 v0, v44;
	v0 =	vld [tilespmem:$0x1FE70];
	_ =	sdelay $0x3  }
0x227: {  	v44 =	vmov v13  }
0x228: {  	v54 =	vadd.s32 v0, v44;
	v0 =	vld [tilespmem:$0x1FFC0];
	_ =	sdelay $0x3  }
0x229: {  	v17 =	vld [tilespmem:s0+$0xE0]  }
0x22a: {  	[tilespmem:v50+s23+$0x0] =	vst.idx.msk $0xffff, v6;
	v6 =	vadd.f32 v16, v35;
	v16 =	vadd.s32 v0, v42;
	v0 =	vld [tilespmem:$0x1FE90];
	_ =	sdelay $0x3  }
0x22b: {  	v24 =	vadd.f32 v12, v35;
	v12 =	vld [tilespmem:s12+$0xFFFFFF90];
	v15 =	vadd.f32 v17, v34  }
0x22c: {  	v0 =	vadd.s32 v0, v2;
	v2 =	vld [tilespmem:$0x1FF10]  }
0x22d: {  	[tilespmem:v52+s23+$0x0] =	vst.idx.msk $0xffff, v15;
	v4 =	vld [tilespmem:s0+$0xFFFFFF20]  }
0x22e: {  	v17 =	vld [tilespmem:s0+$0xF0]  }
0x22f: {  	v3 =	vld [tilespmem:$0x1FF60]  }
0x230: {  	[tilespmem:v22+s23+$0x0] =	vst.idx.msk $0xffff, v7;
	v7 =	vld [tilespmem:$0x1FF00]  }
0x231: {  	p0 =	slt.u32 s11, $0x78;
	v50 =	vadd.s32 v2, v42;
	v2 =	vld [tilespmem:$0x1FE50]  }
.Ltmp5:
0x232: {  	v8 =	vadd.f32 v8, v36;
	v4 =	vadd.f32 v4, v34;
	(pc) =	sbr.rel @p0 .LBB2_9-.Ltmp5, $4  }
0x233: {  	v23 =	vadd.f32 v14, v35;
	v14 =	vadd.f32 v12, v35;
	v12 =	vld [tilespmem:s0+$0xB0]  }
0x234: {  	v17 =	vadd.f32 v17, v33;
	v10 =	vadd.s32 v27, v41;
	v15 =	vld [tilespmem:s0+$0xFFFFFFF0];
	[tilespmem:v57+s23+$0x0] =	vst.idx.msk $0xffff, v4  }
0x235: {  	v41 =	vmov v18;
	[tilespmem:v21+s23+$0x0] =	vst.idx.msk $0xffff, v23;
	v3 =	vadd.s32 v3, v39;
	v4 =	vadd.s32 v31, v39;
	v13 =	vld [tilespmem:s0+$0xFFFFFF30]  }
0x236: {  	s11 =	sadd.s32 $0x8, s11;
	v38 =	vmov v20;
	[tilespmem:v25+s23+$0x0] =	vst.idx.msk $0xffff, v24;
	v51 =	vadd.s32 v7, v41;
	v52 =	vadd.s32 v2, v45;
	v2 =	vld [tilespmem:s0+$0x70];
	s0 =	smov.u32 s12;
	s12 =	sadd.s32 $0x200, s12  }
0x237: {  	_ =	sdelay $0x3  }
0x238: {  	[tilespmem:v59+s23+$0x0] =	vst.idx.msk $0xffff, v8  }
0x239: {  	[tilespmem:v3+s23+$0x0] =	vst.idx.msk $0xffff, v14  }
0x23a: {  	[tilespmem:v53+s23+$0x0] =	vst.idx.msk $0xffff, v49  }
0x23b: {  	[tilespmem:v11+s23+$0x0] =	vst.idx.msk $0xffff, v17;
	v8 =	vadd.s32 v30, v37;
	v7 =	vld [tilespmem:s0+$0xD0];
	v3 =	vadd.f32 v15, v33  }
0x23c: {  	[tilespmem:v16+s23+$0x0] =	vst.idx.msk $0xffff, v62  }
0x23d: {  	[tilespmem:v9+s23+$0x0] =	vst.idx.msk $0xffff, v3;
	v3 =	vld [tilespmem:s0+$0x90]  }
0x23e: {  	[tilespmem:v55+s23+$0x0] =	vst.idx.msk $0xffff, v48  }
0x23f: {  	[tilespmem:v63+s23+$0x0] =	vst.idx.msk $0xffff, v6;
	v9 =	vld [tilespmem:s0+$0x50];
	v2 =	vadd.f32 v2, v33  }
0x240: {  	[tilespmem:v8+s23+$0x0] =	vst.idx.msk $0xffff, v61;
	v8 =	vld [tilespmem:s0+$0xFFFFFF60];
	v7 =	vadd.f32 v7, v35  }
0x241: {  	v11 =	vadd.f32 v12, v33;
	[tilespmem:v60+s23+$0x0] =	vst.idx.msk $0xffff, v2;
	v2 =	vld [tilespmem:s0+$0xFFFFFF10]  }
0x242: {  	[tilespmem:v56+s23+$0x0] =	vst.idx.msk $0xffff, v7;
	v7 =	vld [tilespmem:s0+$0x20];
	v3 =	vadd.f32 v3, v35  }
0x243: {  	[tilespmem:v10+s23+$0x0] =	vst.idx.msk $0xffff, v11;
	v10 =	vadd.f32 v13, v33  }
0x244: {  	v6 =	vadd.f32 v9, v35;
	[tilespmem:v58+s23+$0x0] =	vst.idx.msk $0xffff, v3;
	v3 =	vadd.s32 v26, v40  }
0x245: {  	[tilespmem:v5+s23+$0x0] =	vst.idx.msk $0xffff, v10;
	v5 =	vadd.f32 v8, v34  }
0x246: {  	[tilespmem:v47+s23+$0x0] =	vst.idx.msk $0xffff, v6;
	v2 =	vadd.f32 v2, v35  }
0x247: {  	v11 =	vld [tilespmem:s0+$0xFFFFFFE0];
	[tilespmem:v0+s23+$0x0] =	vst.idx.msk $0xffff, v5;
	v7 =	vadd.f32 v7, v34  }
0x248: {  	v9 =	vld [tilespmem:s0+$0xE0];
	[tilespmem:v54+s23+$0x0] =	vst.idx.msk $0xffff, v2  }
0x249: {  	v6 =	vld [tilespmem:s0+$0xA0];
	[tilespmem:v3+s23+$0x0] =	vst.idx.msk $0xffff, v7  }
0x24a: {  	v56 =	vld [tilespmem:$0x1FEE0]  }
0x24b: {  	v8 =	vld [tilespmem:s0+$0x60]  }
0x24c: {  	v2 =	vld [tilespmem:s0+$0xFFFFFFA0]  }
0x24d: {  	v0 =	vld [tilespmem:s0+$0xFFFFFF20];
	v5 =	vadd.f32 v9, v34  }
0x24e: {  	v9 =	vld [tilespmem:s0+$0xFFFFFF70];
	v3 =	vadd.f32 v11, v34  }
0x24f: {  	v10 =	vld [tilespmem:s0+$0x30];
	v6 =	vadd.f32 v6, v34;
	[tilespmem:v52+s23+$0x0] =	vst.idx.msk $0xffff, v5;
	v7 =	vadd.s32 v56, v44  }
0x250: {  	v5 =	vadd.f32 v8, v34;
	[tilespmem:v46+s23+$0x0] =	vst.idx.msk $0xffff, v3  }
0x251: {  	v8 =	vadd.s32 v32, v40;
	v2 =	vadd.f32 v2, v34;
	[tilespmem:v51+s23+$0x0] =	vst.idx.msk $0xffff, v6  }
0x252: {  	[tilespmem:v50+s23+$0x0] =	vst.idx.msk $0xffff, v5;
	v0 =	vadd.f32 v0, v34  }
0x253: {  	v3 =	vld [tilespmem:s0+$0xF0];
	[tilespmem:v4+s23+$0x0] =	vst.idx.msk $0xffff, v2;
	v2 =	vadd.f32 v9, v33  }
0x254: {  	v11 =	vld [tilespmem:s0+$0xFFFFFFF0];
	v10 =	vadd.f32 v10, v33;
	[tilespmem:v7+s23+$0x0] =	vst.idx.msk $0xffff, v0  }
0x255: {  	v6 =	vadd.s32 v28, v45;
	v45 =	vld [tilespmem:$0x1FE30];
	[tilespmem:v38+s23+$0x0] =	vst.idx.msk $0xffff, v2  }
0x256: {  	v5 =	vld [tilespmem:s0+$0xB0];
	[tilespmem:v8+s23+$0x0] =	vst.idx.msk $0xffff, v10  }
0x257: {  	v10 =	vld [tilespmem:$0x1FE80]  }
0x258: {  	v4 =	vadd.s32 v29, v43;
	v12 =	vld [tilespmem:s0+$0xFFFFFFB0]  }
0x259: {  	v13 =	vadd.s32 v27, v41;
	v9 =	vld [tilespmem:s0+$0x70]  }
0x25a: {  	v2 =	vadd.f32 v3, v33;
	v3 =	vld [tilespmem:s0+$0xFFFFFF30];
	v8 =	vadd.s32 v30, v39  }
0x25b: {  	v7 =	vadd.f32 v11, v33;
	v0 =	vadd.s32 v45, v42  }
0x25c: {  	[tilespmem:v6+s23+$0x0] =	vst.idx.msk $0xffff, v2;
	v2 =	vadd.f32 v5, v33;
	v10 =	vadd.s32 v10, v44  }
0x25d: {  	[tilespmem:v4+s23+$0x0] =	vst.idx.msk $0xffff, v7;
	v5 =	vadd.f32 v12, v33  }
0x25e: {  	v4 =	vadd.f32 v9, v33;
	[tilespmem:v13+s23+$0x0] =	vst.idx.msk $0xffff, v2  }
0x25f: {  	v2 =	vadd.f32 v3, v33;
	[tilespmem:v8+s23+$0x0] =	vst.idx.msk $0xffff, v5  }
0x260: {  	[tilespmem:v0+s23+$0x0] =	vst.idx.msk $0xffff, v4  }
0x261: {  	[tilespmem:v10+s23+$0x0] =	vst.idx.msk $0xffff, v2  }
0x262: {  	v36 =	vld [tilespmem:s3+$0x40]  }
0x263: {  	v35 =	vld [tilespmem:s3+$0x50]  }
0x264: {  	v34 =	vld [tilespmem:s3+$0x60]  }
0x265: {  	s18 =	simm.s32 $0x87;
	v33 =	vld [tilespmem:s3+$0x70]  }
0x266: {  	s5 =	simm.s32 $0x81;
	s7 =	simm.s32 $0x84;
	s0 =	simm.s32 $0xF7F0;
	v8 =	vmov s18;
	v54 =	vld [tilespmem:$0x1FF20]  }
0x267: {  	s11 =	simm.s32 $0x80;
	v3 =	vmov s5;
	v5 =	vmov s7;
	v8 =	vshrl.u32 v8, $0x3;
	v9 =	vld [tilespmem:s0+$0xFFFFFFD0]  }
0x268: {  	v3 =	vshrl.u32 v3, $0x3;
	v8 =	vshll.u32 v8, v1;
	v0 =	vmov s11;
	v25 =	vld [tilespmem:$0x1FFB0]  }
0x269: {  	v3 =	vshll.u32 v3, v1;
	v39 =	vbroadcast v8, $0x0;
	v0 =	vshrl.u32 v0, $0x3;
	v8 =	vld [tilespmem:s0+$0xFFFFFE10]  }
0x26a: {  	v5 =	vshrl.u32 v5, $0x3;
	v43 =	vbroadcast v3, $0x0;
	v0 =	vshll.u32 v0, v1;
	v11 =	vld [tilespmem:s0+$0xFFFFFE90]  }
0x26b: {  	s12 =	simm.s32 $0x82;
	s15 =	simm.s32 $0x85;
	s16 =	simm.s32 $0x86;
	v52 =	vmovc v28;
	v3 =	vshll.u32 v5, v1;
	v28 =	vld [tilespmem:$0x1FFE0];
	v42 =	vbroadcast v0, $0x0;
	v5 =	vadd.s32 v54, v39  }
0x26c: {  	v7 =	vmov s16;
	v6 =	vmov s15;
	v4 =	vmov s12;
	v12 =	vld [tilespmem:s0+$0xFFFFFED0]  }
0x26d: {  	v6 =	vshrl.u32 v6, $0x3;
	v4 =	vshrl.u32 v4, $0x3;
	v23 =	vld [tilespmem:$0x1FED0];
	v10 =	vadd.s32 v25, v42  }
0x26e: {  	s14 =	simm.s32 $0x83;
	v40 =	vbroadcast v3, $0x0;
	v0 =	vshll.u32 v4, v1;
	v4 =	vld [tilespmem:s0+$0xFFFFFE50];
	v3 =	vadd.f32 v9, v36  }
0x26f: {  	v2 =	vmov s14;
	v19 =	vld [tilespmem:$0x1FF50];
	v44 =	vbroadcast v0, $0x0;
	v0 =	vshll.u32 v6, v1  }
0x270: {  	v2 =	vshrl.u32 v2, $0x3;
	v13 =	vld [tilespmem:s0+$0xFFFFFF10];
	v6 =	vadd.s32 v28, v43;
	v8 =	vadd.f32 v8, v36;
	[tilespmem:v5+s23+$0x0] =	vst.idx.msk $0xffff, v3  }
0x271: {  	v7 =	vshrl.u32 v7, $0x3;
	v2 =	vshll.u32 v2, v1;
	v48 =	vld [tilespmem:$0x1FEF0]  }
0x272: {  	v14 =	vld [tilespmem:s0+$0xFFFFFF50];
	v41 =	vbroadcast v2, $0x0;
	v2 =	vshll.u32 v7, v1;
	v7 =	vadd.s32 v23, v44;
	[tilespmem:v10+s23+$0x0] =	vst.idx.msk $0xffff, v8  }
0x273: {  	v37 =	vbroadcast v0, $0x0;
	v0 =	vadd.f32 v4, v36;
	v47 =	vld [tilespmem:$0x1FFC0]  }
0x274: {  	v9 =	vadd.s32 v19, v41;
	v4 =	vld [tilespmem:s0+$0xFFFFFF90]  }
0x275: {  	v38 =	vbroadcast v2, $0x0;
	v2 =	vadd.f32 v11, v36;
	v8 =	vld [tilespmem:s0+$0xFFFFFFE0];
	[tilespmem:v6+s23+$0x0] =	vst.idx.msk $0xffff, v0  }
0x276: {  	v59 =	vld [tilespmem:$0x1FF30];
	v3 =	vadd.s32 v48, v40  }
0x277: {  	v0 =	vld [tilespmem:s0+$0xFFFFFE20];
	v6 =	vadd.f32 v12, v36;
	[tilespmem:v7+s23+$0x0] =	vst.idx.msk $0xffff, v2  }
0x278: {  	v53 =	vld [tilespmem:$0x1FF90];
	v5 =	vadd.s32 v47, v37  }
0x279: {  	v2 =	vld [tilespmem:s0+$0xFFFFFE60];
	v7 =	vadd.f32 v13, v36;
	[tilespmem:v9+s23+$0x0] =	vst.idx.msk $0xffff, v6  }
0x27a: {  	v55 =	vld [tilespmem:$0x1FE70]  }
0x27b: {  	v12 =	vld [tilespmem:s0+$0xFFFFFEA0];
	v9 =	vadd.f32 v14, v36;
	v10 =	vadd.s32 v59, v38;
	[tilespmem:v3+s23+$0x0] =	vst.idx.msk $0xffff, v7  }
0x27c: {  	v60 =	vld [tilespmem:$0x1FEA0]  }
0x27d: {  	v13 =	vld [tilespmem:s0+$0xFFFFFEE0];
	v11 =	vadd.s32 v53, v39;
	[tilespmem:v5+s23+$0x0] =	vst.idx.msk $0xffff, v9  }
0x27e: {  	v4 =	vadd.f32 v4, v36;
	v22 =	vld [tilespmem:$0x1FF60]  }
0x27f: {  	v6 =	vadd.s32 v55, v42;
	v15 =	vld [tilespmem:s0+$0xFFFFFF20]  }
0x280: {  	v5 =	vadd.f32 v8, v35;
	[tilespmem:v10+s23+$0x0] =	vst.idx.msk $0xffff, v4;
	v10 =	vld [tilespmem:s0+$0xFFFFFF60]  }
0x281: {  	v63 =	vld [tilespmem:$0x1FF80];
	v3 =	vadd.s32 v60, v43  }
0x282: {  	v0 =	vadd.f32 v0, v35;
	[tilespmem:v11+s23+$0x0] =	vst.idx.msk $0xffff, v5;
	v8 =	vld [tilespmem:s0+$0xFFFFFFA0]  }
0x283: {  	v61 =	vld [tilespmem:$0x1FF40];
	v14 =	vadd.s32 v22, v44  }
0x284: {  	v2 =	vadd.f32 v2, v35;
	[tilespmem:v6+s23+$0x0] =	vst.idx.msk $0xffff, v0;
	v6 =	vld [tilespmem:s0+$0xFFFFFFF0]  }
0x285: {  	v57 =	vld [tilespmem:$0x1FF70]  }
0x286: {  	v0 =	vadd.f32 v12, v35;
	v4 =	vld [tilespmem:s0+$0xFFFFFE30];
	[tilespmem:v3+s23+$0x0] =	vst.idx.msk $0xffff, v2  }
0x287: {  	v46 =	vld [tilespmem:$0x1FEB0]  }
0x288: {  	[tilespmem:v14+s23+$0x0] =	vst.idx.msk $0xffff, v0;
	v3 =	vld [tilespmem:s0+$0xFFFFFE70]  }
0x289: {  	v50 =	vld [tilespmem:$0x1FE50]  }
0x28a: {  	v21 =	vld [tilespmem:$0x1FFF0]  }
0x28b: {  	v51 =	vld [tilespmem:$0x1FF10]  }
0x28c: {  	v24 =	vmovc v31;
	v49 =	vmov v26;
	v26 =	vmov v30;
	v9 =	vadd.s32 v63, v41;
	v62 =	vld [tilespmem:$0x1FE90]  }
0x28d: {  	v30 =	vmovc v29;
	v12 =	vadd.f32 v13, v35;
	v11 =	vadd.f32 v15, v35;
	v7 =	vadd.s32 v61, v40;
	v31 =	vld [tilespmem:$0x1FFD0]  }
0x28e: {  	s3 =	simm.s32 $0x0;
	v5 =	vadd.s32 v57, v37;
	v2 =	vadd.s32 v46, v38;
	v29 =	vmovc v46;
	v46 =	vld [tilespmem:$0x1FF00];
	v0 =	vadd.s32 v50, v39  }
.LBB2_11:
0x28f: {  	_ = 	snop  }
0x290: {  	v13 =	vadd.s32 v56, v42  }
0x291: {  	s5 =	sadd.s32 $0x88, s3;
	v14 =	vld [tilespmem:s0+$0xFFFFFEB0];
	[tilespmem:v9+s23+$0x0] =	vst.idx.msk $0xffff, v12;
	v12 =	vadd.s32 v62, v43;
	v9 =	vadd.f32 v10, v35  }
0x292: {  	s9 =	sadd.s32 $0x89, s3;
	[tilespmem:v7+s23+$0x0] =	vst.idx.msk $0xffff, v11;
	v11 =	vadd.s32 v24, v44;
	v15 =	vld [tilespmem:s0+$0xFFFFFEF0];
	v10 =	vmov s5;
	v7 =	vadd.f32 v8, v35  }
0x293: {  	v16 =	vld [tilespmem:s0+$0xFFFFFF30];
	v8 =	vmov s9;
	v4 =	vadd.f32 v4, v34;
	v3 =	vadd.f32 v3, v34;
	[tilespmem:v5+s23+$0x0] =	vst.idx.msk $0xffff, v9  }
0x294: {  	s11 =	sadd.s32 $0x8A, s3;
	v10 =	vshrl.u32 v10, $0x3;
	v8 =	vshrl.u32 v8, $0x3;
	v5 =	vadd.f32 v6, v34;
	[tilespmem:v2+s23+$0x0] =	vst.idx.msk $0xffff, v7  }
0x295: {  	s12 =	sadd.s32 $0x8B, s3;
	v58 =	vmovc v53;
	v6 =	vmov s11;
	v9 =	vadd.s32 v21, v41;
	v7 =	vadd.s32 v49, v40;
	[tilespmem:v13+s23+$0x0] =	vst.idx.msk $0xffff, v4  }
0x296: {  	v53 =	vmovc v47;
	v2 =	vmov s12;
	v4 =	vadd.f32 v14, v34;
	[tilespmem:v12+s23+$0x0] =	vst.idx.msk $0xffff, v3;
	v12 =	vadd.s32 v46, v38  }
0x297: {  	v47 =	vmovc v59;
	v10 =	vshll.u32 v10, v1;
	v8 =	vshll.u32 v8, v1;
	v17 =	vld [tilespmem:s0+$0xFFFFFF70];
	v3 =	vadd.f32 v15, v34  }
0x298: {  	s14 =	sadd.s32 $0x8C, s3;
	v59 =	vmovc v51;
	v6 =	vshrl.u32 v6, $0x3;
	v2 =	vshrl.u32 v2, $0x3;
	[tilespmem:v11+s23+$0x0] =	vst.idx.msk $0xffff, v4;
	v4 =	vadd.f32 v16, v34;
	v16 =	vld [tilespmem:$0x1FE80]  }
0x299: {  	v18 =	vld [tilespmem:s0+$0xFFFFFFB0];
	[tilespmem:v0+s23+$0x0] =	vst.idx.msk $0xffff, v5;
	v0 =	vmov s14;
	v5 =	vadd.s32 v51, v37;
	v51 =	vmovc v48;
	v48 =	vmovc v49;
	v49 =	vmov v57  }
0x29a: {  	v57 =	vmovc v60;
	v60 =	vmovc v22;
	v22 =	vmov v62;
	v62 =	vmov v63;
	v11 =	vadd.s32 v52, v39;
	v13 =	vld [tilespmem:s0+$0x0]  }
0x29b: {  	v63 =	vmovc v61;
	v61 =	vmovc v19;
	v19 =	vld [tilespmem:s0+$0xFFFFFE40];
	v6 =	vshll.u32 v6, v1;
	v2 =	vshll.u32 v2, v1;
	v0 =	vshrl.u32 v0, $0x3  }
0x29c: {  	v20 =	vld [tilespmem:s0+$0xFFFFFE80];
	v0 =	vshll.u32 v0, v1;
	[tilespmem:v9+s23+$0x0] =	vst.idx.msk $0xffff, v3;
	v9 =	vadd.s32 v31, v43  }
0x29d: {  	s15 =	sadd.s32 $0x8D, s3;
	v43 =	vbroadcast v8, $0x0;
	v3 =	vadd.f32 v17, v34;
	v16 =	vadd.s32 v16, v42;
	v42 =	vmovc v21;
	v21 =	vld [tilespmem:s0+$0xFFFFFEC0]  }
0x29e: {  	v14 =	vmov s15;
	[tilespmem:v7+s23+$0x0] =	vst.idx.msk $0xffff, v4;
	v7 =	vadd.s32 v26, v44;
	v17 =	vld [tilespmem:s0+$0xFFFFFF00];
	v4 =	vadd.f32 v18, v34  }
0x29f: {  	s16 =	sadd.s32 $0x8E, s3;
	v44 =	vbroadcast v6, $0x0;
	v18 =	vld [tilespmem:s0+$0xFFFFFF40];
	v6 =	vadd.s32 v28, v43;
	[tilespmem:v5+s23+$0x0] =	vst.idx.msk $0xffff, v3;
	v3 =	vadd.f32 v13, v33  }
0x2a0: {  	v15 =	vmov s16;
	v5 =	vadd.f32 v19, v33;
	v13 =	vadd.s32 v30, v41;
	[tilespmem:v12+s23+$0x0] =	vst.idx.msk $0xffff, v4;
	v19 =	vld [tilespmem:s0+$0xFFFFFF80]  }
0x2a1: {  	s18 =	sadd.s32 $0x8F, s3;
	v4 =	vadd.f32 v20, v33;
	v12 =	vadd.s32 v32, v40;
	v20 =	vld [tilespmem:s0+$0xFFFFFFC0];
	[tilespmem:v11+s23+$0x0] =	vst.idx.msk $0xffff, v3;
	v3 =	vshrl.u32 v14, $0x3  }
0x2a2: {  	v11 =	vadd.s32 v45, v37;
	v14 =	vmov s18;
	[tilespmem:v16+s23+$0x0] =	vst.idx.msk $0xffff, v5;
	v5 =	vadd.f32 v21, v33  }
0x2a3: {  	[tilespmem:v9+s23+$0x0] =	vst.idx.msk $0xffff, v4;
	v9 =	vadd.s32 v27, v38;
	v4 =	vadd.f32 v17, v33;
	v14 =	vshrl.u32 v14, $0x3  }
0x2a4: {  	v41 =	vbroadcast v2, $0x0;
	s0 =	sadd.s32 $0x200, s0;
	v14 =	vshll.u32 v14, v1;
	[tilespmem:v7+s23+$0x0] =	vst.idx.msk $0xffff, v5;
	v5 =	vadd.f32 v18, v33  }
0x2a5: {  	v3 =	vshll.u32 v3, v1;
	[tilespmem:v13+s23+$0x0] =	vst.idx.msk $0xffff, v4;
	v13 =	vld [tilespmem:s0+$0xFFFFFFD0];
	v39 =	vbroadcast v14, $0x0;
	v4 =	vadd.f32 v19, v33  }
0x2a6: {  	v40 =	vbroadcast v0, $0x0;
	v21 =	vmovc v42;
	v42 =	vbroadcast v10, $0x0;
	[tilespmem:v12+s23+$0x0] =	vst.idx.msk $0xffff, v5;
	v5 =	vadd.f32 v20, v33;
	v12 =	vld [tilespmem:s0+$0xFFFFFE10]  }
0x2a7: {  	v37 =	vbroadcast v3, $0x0;
	v7 =	vshrl.u32 v15, $0x3;
	v8 =	vadd.s32 v54, v39;
	[tilespmem:v11+s23+$0x0] =	vst.idx.msk $0xffff, v4;
	v4 =	vld [tilespmem:s0+$0xFFFFFE50]  }
0x2a8: {  	v19 =	vmovc v61;
	v61 =	vmov v63;
	v63 =	vmov v62;
	[tilespmem:v9+s23+$0x0] =	vst.idx.msk $0xffff, v5;
	v5 =	vadd.s32 v25, v42;
	v9 =	vld [tilespmem:s0+$0xFFFFFE90]  }
0x2a9: {  	v62 =	vmovc v22;
	v22 =	vmovc v60;
	v60 =	vmov v57;
	v57 =	vmov v49;
	v49 =	vmov v48;
	v10 =	vld [tilespmem:s0+$0xFFFFFED0]  }
0x2aa: {  	v48 =	vmovc v51;
	v2 =	vshll.u32 v7, v1;
	v7 =	vadd.s32 v23, v44;
	v11 =	vld [tilespmem:s0+$0xFFFFFF10];
	v0 =	vadd.f32 v13, v36  }
0x2ab: {  	v51 =	vmovc v59;
	v59 =	vmovc v47;
	v47 =	vmov v53;
	v14 =	vld [tilespmem:s0+$0xFFFFFF50];
	v13 =	vadd.s32 v19, v41;
	v12 =	vadd.f32 v12, v36  }
0x2ac: {  	v38 =	vbroadcast v2, $0x0;
	v15 =	vld [tilespmem:s0+$0xFFFFFF90];
	[tilespmem:v8+s23+$0x0] =	vst.idx.msk $0xffff, v0;
	v3 =	vadd.f32 v4, v36;
	v4 =	vadd.s32 v48, v40  }
0x2ad: {  	v2 =	vadd.s32 v47, v37;
	[tilespmem:v5+s23+$0x0] =	vst.idx.msk $0xffff, v12;
	v0 =	vadd.f32 v9, v36;
	v5 =	vld [tilespmem:s0+$0xFFFFFFE0]  }
0x2ae: {  	[tilespmem:v6+s23+$0x0] =	vst.idx.msk $0xffff, v3;
	v3 =	vadd.f32 v10, v36;
	v6 =	vadd.s32 v59, v38;
	v8 =	vld [tilespmem:s0+$0xFFFFFE20]  }
0x2af: {  	v12 =	vld [tilespmem:s0+$0xFFFFFE60];
	[tilespmem:v7+s23+$0x0] =	vst.idx.msk $0xffff, v0;
	v0 =	vadd.f32 v11, v36;
	v11 =	vadd.s32 v58, v39  }
0x2b0: {  	v16 =	vadd.s32 v55, v42;
	[tilespmem:v13+s23+$0x0] =	vst.idx.msk $0xffff, v3;
	v3 =	vadd.f32 v14, v36;
	v17 =	vld [tilespmem:s0+$0xFFFFFEA0]  }
0x2b1: {  	s3 =	sadd.s32 $0x8, s3;
	v13 =	vadd.s32 v60, v43;
	v14 =	vld [tilespmem:s0+$0xFFFFFEE0];
	[tilespmem:v4+s23+$0x0] =	vst.idx.msk $0xffff, v0;
	v0 =	vadd.f32 v15, v36  }
0x2b2: {  	p0 =	slt.u32 s3, $0x78;
	v15 =	vadd.s32 v22, v44;
	[tilespmem:v2+s23+$0x0] =	vst.idx.msk $0xffff, v3;
	v18 =	vld [tilespmem:s0+$0xFFFFFF20];
	v2 =	vadd.f32 v5, v35  }
.Ltmp6:
0x2b3: {  	v9 =	vadd.s32 v63, v41;
	v10 =	vld [tilespmem:s0+$0xFFFFFF60];
	v3 =	vadd.f32 v8, v35;
	[tilespmem:v6+s23+$0x0] =	vst.idx.msk $0xffff, v0;
	(pc) =	sbr.rel @p0 .LBB2_11-.Ltmp6, $4  }
0x2b4: {  	v7 =	vadd.s32 v61, v40;
	v0 =	vadd.f32 v12, v35;
	v8 =	vld [tilespmem:s0+$0xFFFFFFA0];
	[tilespmem:v11+s23+$0x0] =	vst.idx.msk $0xffff, v2  }
0x2b5: {  	v5 =	vadd.s32 v57, v37;
	[tilespmem:v16+s23+$0x0] =	vst.idx.msk $0xffff, v3;
	v11 =	vadd.f32 v17, v35;
	v6 =	vld [tilespmem:s0+$0xFFFFFFF0]  }
0x2b6: {  	v2 =	vadd.s32 v29, v38;
	[tilespmem:v13+s23+$0x0] =	vst.idx.msk $0xffff, v0;
	v12 =	vadd.f32 v14, v35;
	v4 =	vld [tilespmem:s0+$0xFFFFFE30]  }
0x2b7: {  	v53 =	vmov v58;
	v0 =	vadd.s32 v50, v39;
	v3 =	vld [tilespmem:s0+$0xFFFFFE70];
	[tilespmem:v15+s23+$0x0] =	vst.idx.msk $0xffff, v11;
	v11 =	vadd.f32 v18, v35  }
0x2b8: {  	_ =	sdelay $0x3  }
0x2b9: {  	v13 =	vadd.s32 v56, v42;
	v14 =	vld [tilespmem:s0+$0xFFFFFEB0];
	[tilespmem:v9+s23+$0x0] =	vst.idx.msk $0xffff, v12;
	v36 =	vadd.f32 v10, v35  }
0x2ba: {  	v50 =	vadd.s32 v62, v43;
	[tilespmem:v7+s23+$0x0] =	vst.idx.msk $0xffff, v11;
	v55 =	vadd.f32 v8, v35  }
0x2bb: {  	v58 =	vmov v56;
	v56 =	vadd.s32 v24, v44;
	[tilespmem:v5+s23+$0x0] =	vst.idx.msk $0xffff, v36;
	v35 =	vadd.f32 v6, v34  }
0x2bc: {  	v12 =	vld [tilespmem:s0+$0xFFFFFEF0];
	v4 =	vadd.f32 v4, v34;
	[tilespmem:v2+s23+$0x0] =	vst.idx.msk $0xffff, v55  }
0x2bd: {  	v11 =	vld [tilespmem:s0+$0xFFFFFF30];
	v2 =	vadd.f32 v3, v34;
	[tilespmem:v0+s23+$0x0] =	vst.idx.msk $0xffff, v35  }
0x2be: {  	v9 =	vld [tilespmem:s0+$0xFFFFFF70];
	[tilespmem:v13+s23+$0x0] =	vst.idx.msk $0xffff, v4;
	v0 =	vadd.f32 v14, v34  }
0x2bf: {  	v36 =	vadd.s32 v21, v41;
	v7 =	vld [tilespmem:s0+$0xFFFFFFB0];
	[tilespmem:v50+s23+$0x0] =	vst.idx.msk $0xffff, v2  }
0x2c0: {  	v3 =	vadd.s32 v49, v40;
	v5 =	vld [tilespmem:s0+$0x0];
	[tilespmem:v56+s23+$0x0] =	vst.idx.msk $0xffff, v0  }
0x2c1: {  	v4 =	vadd.s32 v51, v37;
	v15 =	vld [tilespmem:$0x1FE80]  }
0x2c2: {  	v10 =	vadd.s32 v46, v38;
	v2 =	vadd.f32 v12, v34;
	v50 =	vld [tilespmem:s0+$0xFFFFFE80]  }
0x2c3: {  	v8 =	vadd.s32 v52, v39;
	v0 =	vadd.f32 v11, v34;
	v56 =	vld [tilespmem:s0+$0xFFFFFEC0]  }
0x2c4: {  	v13 =	vld [tilespmem:s0+$0xFFFFFE40];
	[tilespmem:v36+s23+$0x0] =	vst.idx.msk $0xffff, v2;
	v2 =	vadd.f32 v9, v34  }
0x2c5: {  	[tilespmem:v3+s23+$0x0] =	vst.idx.msk $0xffff, v0;
	v0 =	vadd.f32 v7, v34;
	v3 =	vadd.s32 v26, v44  }
0x2c6: {  	v39 =	vld [tilespmem:s0+$0xFFFFFF40];
	[tilespmem:v4+s23+$0x0] =	vst.idx.msk $0xffff, v2;
	v2 =	vadd.f32 v5, v33;
	v55 =	vadd.s32 v15, v42  }
0x2c7: {  	v35 =	vadd.s32 v31, v43;
	v36 =	vld [tilespmem:s0+$0xFFFFFF00];
	[tilespmem:v10+s23+$0x0] =	vst.idx.msk $0xffff, v0;
	v0 =	vadd.f32 v50, v33  }
0x2c8: {  	v50 =	vadd.s32 v32, v40;
	v52 =	vld [tilespmem:s0+$0xFFFFFFC0];
	[tilespmem:v8+s23+$0x0] =	vst.idx.msk $0xffff, v2;
	v2 =	vadd.f32 v56, v33  }
0x2c9: {  	v43 =	vadd.s32 v30, v41;
	v44 =	vld [tilespmem:s0+$0xFFFFFF80];
	v42 =	vadd.f32 v13, v33  }
0x2ca: {  	v56 =	vadd.s32 v27, v38;
	[tilespmem:v3+s23+$0x0] =	vst.idx.msk $0xffff, v2  }
0x2cb: {  	v2 =	vadd.f32 v39, v33;
	[tilespmem:v55+s23+$0x0] =	vst.idx.msk $0xffff, v42;
	v55 =	vadd.s32 v45, v37  }
0x2cc: {  	s30 =	sshll.u32 s30, $0x8;
	[tilespmem:v35+s23+$0x0] =	vst.idx.msk $0xffff, v0;
	v0 =	vadd.f32 v36, v33  }
0x2cd: {  	s0 =	sor.u32 s31, s30;
	[tilespmem:v50+s23+$0x0] =	vst.idx.msk $0xffff, v2;
	v2 =	vadd.f32 v52, v33  }
0x2ce: {  	s0 =	sor.u32 s4, s0;
	[tilespmem:v43+s23+$0x0] =	vst.idx.msk $0xffff, v0;
	v0 =	vadd.f32 v44, v33  }
0x2cf: {  	s0 =	sshrl.u32 s0, $0x3;
	[tilespmem:v56+s23+$0x0] =	vst.idx.msk $0xffff, v2  }
0x2d0: {  	s3 =	simm.s32 $0x15800;
	s0 =	sadd.s32 s1, s0;
	[tilespmem:v55+s23+$0x0] =	vst.idx.msk $0xffff, v0  }
0x2d1: {  	[hbm4b:s0+s2] =	stream.linear.scatter [tilespmem:s3], [sflag:$0x4], $0x100, $0x38;
	[tilespmem:$0x19A00] =	vst v63  }
0x2d2: {  	v20 =	vmov v28;
	v28 =	vmov v31;
	v31 =	vmov v46;
	s3 =	simm.s32 $0x420  }
.LBB2_13:
0x2d3: {  	p0 =	sne.s32 s3, $0x103E0  }
.Ltmp7:
0x2d4: {  	_ = 	snop;
	(pc) =	sbr.rel @p0 .LBB2_13-.Ltmp7, $4  }
0x2d5: {  	_ = 	snop  }
0x2d6: {  	s5 =	sshra.s32 s3, $0x2;
	s3 =	sadd.s32 $0x420, s3  }
0x2d7: {  	s0 =	sadd.s32 $0x19000, s0;
	s5 =	sadd.s32 $0x15800, s5  }
0x2d8: {  	[hbm4b:s0+s2] =	stream.linear.scatter [tilespmem:s5], [sflag:$0x4], $0x100, $0x38;
	[tilespmem:$0x19A00] =	vst v63  }
.Ltmp8:
0x2d9: {  	(pc) =	sbr.rel @p1 .LBB2_16-.Ltmp8, $2  }
0x2da: {  	_ =	sdelay $0x2  }
0x2db: {  	v0 =	vmov v20  }
0x2dc: {  	s0 =	sshll.u32 s29, $0x8  }
.Ltmp9:
0x2dd: {  	s0 =	sadd.s32 $0x300, s0;
	(pc) =	sbr.rel .LBB2_2-.Ltmp9, $4  }
0x2de: {  	s0 =	sand.u32 $0xFF00, s0  }
0x2df: {  	[tilespmem:s17], [sflag:$0x2] =	stream.indirect.gather [hbm4b:s6+s13], $0x40, s0, s13, $0xb8;
	[tilespmem:$0x19A00] =	vst v63  }
0x2e0: {  	s28 =	sadd.s32 $0x1, s28;
	s0 =	sor.u32 $0x80, s0  }
0x2e1: {  	v20 =	vmov v29;
	[tilespmem:s19], [sflag:$0x2] =	stream.indirect.gather [hbm4b:s6+s13], $0x40, s0, s13, $0xb8;
	[tilespmem:$0x19A00] =	vst v63  }
.LBB2_17:
0x2e2: {  	_ =	sfence.sel $0x180000  }
0x2e3: {  	[bflag:$0x0] =	sbarrier.arrive $0xFFFF  }
0x2e4: {  	_ =	strace $0x90000047  }
0x2e5: {  	s0 =	stileid.u32;
	[bflag:$0x2] =	sbarrier.arrive $0xFFFF  }
0x2e6: {  	p0 =	sne.s32 s0, $0x0;
	s0 =	rddreg [dreg:$0x3]  }
0x2e7: {  	s0 =	sadd.s32 @!p0 $0x100000, s0  }
0x2e8: {  	[sflag:s0] =	ssyncadd.tile.s32 @!p0 $0x1;
	_ =	shalt  }
.Lfunc_end2:
_tile_overlayer_lowered:
.L_overlay_start_2:
0x2e9: {  	(tag) =	ssettag $0x2  }
0x2ea: {  	s0 =	rddreg [dreg:$0x0];
	s2 =	stileid.u32  }
0x2eb: {  	s1 =	rddreg [dreg:$0x1];
	p0 =	sne.s32 s2, $0x0  }
0x2ec: {  	s3 =	rddreg [dreg:$0x2];
	[bflag:$0x3] =	sbarrier.arrive $0xFFFF;
	s2 =	simm.s32 @!p0 $0x1C05  }
0x2ed: {  	[timem:s3], [sflag:s2] =	dma.local @!p0 [hbm:s0], s1  }
0x2ee: {  	s0 =	simm.s32 @!p0 $0x5  }
0x2ef: {  	_ =	swait.ge @!p0 [sflag:s0], s1  }
0x2f0: {  	s1 =	ssub.s32 @!p0 $0x0, s1;
	[sflag:s0] =	ssyncset.done @!p0 $0x0  }
0x2f1: {  	[sflag:s0] =	ssyncadd.s32 @!p0 s1  }
0x2f2: {  	[bflag:$0x3] =	sbarrier.arrive $0xFFFF  }
0x2f3: {  	_ =	shalt  }

</sc_bundles>
